<compile_context>
chip_gen: v7x
topology: tpu7x:2x2x1
jax: 0.10.2.dev20260603
libtpu: 0.0.44.dev20260713+nightly
codegen_flags: <defaults>
</compile_context>

<pallas_src>
import functools
import math

import jax
import jax.numpy as jnp
from jax import lax
from jax.experimental import pallas as pl
from jax.experimental.pallas import tpu as pltpu
from jax.experimental.pallas import tpu_sc as plsc

HIDDEN = 128
NUM_GAUSSIANS = 50
NUM_FILTERS = 128
CUTOFF = 10.0
N_NODES = 10000
N_EDGES = 320000

NC = 2
NS = 16
NW = NC * NS
LANES = 16

CHUNK = 128
CHUNKS_PER_WORKER = 79
EDGES_PER_WORKER = CHUNKS_PER_WORKER * CHUNK
E_PAD = NW * EDGES_PER_WORKER
AGG_CHUNKS = 158
AGG_EDGES_PER_WORKER = AGG_CHUNKS * CHUNK
GK = 64

_GAUSS_DELTA = CUTOFF / (NUM_GAUSSIANS - 1)
_GAUSS_COEFF = -0.5 / _GAUSS_DELTA**2
_LOG2 = math.log(2.0)

_mesh = plsc.VectorSubcoreMesh(core_axis_name="c", subcore_axis_name="s")
_mesh1 = plsc.VectorSubcoreMesh(core_axis_name="c", subcore_axis_name="s", num_cores=1)
_sc_params = pltpu.CompilerParams(needs_layout_passes=False, use_tc_tiling_on_sc=False)


@functools.partial(
    pl.kernel,
    out_type=jax.ShapeDtypeStruct((E_PAD,), jnp.float32),
    mesh=_mesh,
    compiler_params=_sc_params,
    scratch_types=[
        pltpu.VMEM((N_NODES,), jnp.float32),
        pltpu.VMEM((N_NODES,), jnp.float32),
        pltpu.VMEM((N_NODES,), jnp.float32),
        pltpu.VMEM((EDGES_PER_WORKER,), jnp.int32),
        pltpu.VMEM((EDGES_PER_WORKER,), jnp.int32),
        pltpu.VMEM((EDGES_PER_WORKER,), jnp.float32),
    ],
)
def _d2_kernel(posx_hbm, posy_hbm, posz_hbm, row_hbm, col_hbm, out_hbm,
               px, py, pz, rv, cv, dv):
    wid = lax.axis_index("s") * NC + lax.axis_index("c")
    base = wid * EDGES_PER_WORKER
    pltpu.sync_copy(posx_hbm, px)
    pltpu.sync_copy(posy_hbm, py)
    pltpu.sync_copy(posz_hbm, pz)
    pltpu.sync_copy(row_hbm.at[pl.ds(base, EDGES_PER_WORKER)], rv)
    pltpu.sync_copy(col_hbm.at[pl.ds(base, EDGES_PER_WORKER)], cv)

    def vec_body(g, carry):
        s = pl.ds(g * LANES, LANES)
        r16 = rv[s]
        c16 = cv[s]
        dx = plsc.load_gather(px, [r16]) - plsc.load_gather(px, [c16])
        dy = plsc.load_gather(py, [r16]) - plsc.load_gather(py, [c16])
        dz = plsc.load_gather(pz, [r16]) - plsc.load_gather(pz, [c16])
        dv[s] = dx * dx + dy * dy + dz * dz
        return carry

    lax.fori_loop(0, EDGES_PER_WORKER // LANES, vec_body, 0)
    pltpu.sync_copy(dv, out_hbm.at[pl.ds(base, EDGES_PER_WORKER)])


_EROWS = E_PAD // 128
_VROWS = N_EDGES // 128


def _scal_body(d2_ref, ew_ref, cc_ref):
    ew = jnp.sqrt(d2_ref[...])
    cutc = 0.5 * (jnp.cos(ew * (math.pi / CUTOFF)) + 1.0)
    rid = lax.broadcasted_iota(jnp.int32, (_EROWS, 128), 0)
    valid = (rid < _VROWS).astype(jnp.float32)
    ew_ref[...] = ew
    cc_ref[...] = cutc * valid


_scal_kernel = pl.pallas_call(
    _scal_body,
    out_shape=(
        jax.ShapeDtypeStruct((_EROWS, 128), jnp.float32),
        jax.ShapeDtypeStruct((_EROWS, 128), jnp.float32),
    ),
)


_BE = 2048


def _w_body(ew_ref, cc_ref, w1_ref, b1_ref, w2_ref, b2_ref, out_ref):
    ew = ew_ref[...]
    offs = lax.broadcasted_iota(jnp.int32, (1, GK), 1).astype(jnp.float32) * _GAUSS_DELTA
    attr = jnp.exp(_GAUSS_COEFF * (ew - offs) ** 2)
    t = attr @ w1_ref[...] + b1_ref[...]
    h1 = jnp.log(0.5 * (1.0 + jnp.exp(t)))
    w = h1 @ w2_ref[...] + b2_ref[...]
    out_ref[...] = w * cc_ref[...]


_w_kernel = pl.pallas_call(
    _w_body,
    grid=(E_PAD // _BE,),
    in_specs=[
        pl.BlockSpec((_BE, 1), lambda i: (i, 0)),
        pl.BlockSpec((_BE, 1), lambda i: (i, 0)),
        pl.BlockSpec((GK, NUM_FILTERS), lambda i: (0, 0)),
        pl.BlockSpec((1, NUM_FILTERS), lambda i: (0, 0)),
        pl.BlockSpec((NUM_FILTERS, NUM_FILTERS), lambda i: (0, 0)),
        pl.BlockSpec((1, NUM_FILTERS), lambda i: (0, 0)),
    ],
    out_specs=pl.BlockSpec((_BE, NUM_FILTERS), lambda i: (i, 0)),
    out_shape=jax.ShapeDtypeStruct((E_PAD, NUM_FILTERS), jnp.float32),
)


N_ACC = 10112
_ROWS_PER_TILE = N_ACC // NS


@functools.partial(
    pl.kernel,
    out_type=jax.ShapeDtypeStruct((N_ACC, HIDDEN), jnp.float32),
    mesh=_mesh1,
    compiler_params=_sc_params,
    scratch_types=[
        pltpu.VMEM((CHUNK,), jnp.int32),
        pltpu.VMEM((CHUNK,), jnp.int32),
        pltpu.VMEM((CHUNK,), jnp.int32),
        pltpu.VMEM((CHUNK,), jnp.int32),
        pltpu.VMEM((CHUNK, HIDDEN), jnp.float32),
        pltpu.VMEM((CHUNK, HIDDEN), jnp.float32),
        pltpu.VMEM((CHUNK, HIDDEN), jnp.float32),
        pltpu.VMEM_SHARED((N_ACC, HIDDEN), jnp.float32),
        pltpu.SemaphoreType.DMA,
        pltpu.SemaphoreType.DMA,
        pltpu.SemaphoreType.DMA,
        pltpu.SemaphoreType.DMA,
        pltpu.SemaphoreType.DMA,
        pltpu.SemaphoreType.DMA,
        pltpu.SemaphoreType.DMA,
    ],
)
def _agg_kernel(x_hbm, w_hbm, row_hbm, col_hbm, out_hbm,
                rv0, rv1, cv0, cv1, xv0, xv1, wv, acc,
                sg0, sg1, si0, si1, ss0, ss1, sw):
    wid = lax.axis_index("s")
    tile_rows = pl.ds(wid * _ROWS_PER_TILE, _ROWS_PER_TILE)

    def zero_body(r, c2):
        for cc in range(HIDDEN // LANES):
            wv[r, pl.ds(cc * LANES, LANES)] = jnp.zeros((LANES,), jnp.float32)
        return c2

    lax.fori_loop(0, CHUNK, zero_body, 0)
    zfull = _ROWS_PER_TILE // CHUNK
    for k in range(zfull):
        pltpu.sync_copy(
            wv, acc.at[pl.ds(wid * _ROWS_PER_TILE + k * CHUNK, CHUNK)])
    zrem = _ROWS_PER_TILE - zfull * CHUNK
    if zrem:
        pltpu.sync_copy(
            wv.at[pl.ds(0, zrem)],
            acc.at[pl.ds(wid * _ROWS_PER_TILE + zfull * CHUNK, zrem)])
    plsc.subcore_barrier()

    base = wid * AGG_EDGES_PER_WORKER
    rbufs = (rv0, rv1)
    cbufs = (cv0, cv1)
    xbufs = (xv0, xv1)
    gsems = (sg0, sg1)

    isems = (si0, si1)
    ssems = (ss0, ss1)

    def wait_scatter(b):
        pltpu.make_async_copy(xbufs[b], acc.at[cbufs[b]], ssems[b]).wait()

    def fetch_and_fire(ci, b):
        ra = pltpu.async_copy(row_hbm.at[pl.ds(base + ci * CHUNK, CHUNK)],
                              rbufs[b], isems[b])
        ca = pltpu.async_copy(col_hbm.at[pl.ds(base + ci * CHUNK, CHUNK)],
                              cbufs[b], isems[b])
        ra.wait()
        ca.wait()
        pltpu.async_copy(x_hbm.at[rbufs[b]], xbufs[b], gsems[b])

    def fire_w(ci):
        pltpu.async_copy(w_hbm.at[pl.ds(base + ci * CHUNK, CHUNK)], wv, sw)

    fetch_and_fire(0, 0)
    fetch_and_fire(1, 1)
    fire_w(0)

    def chunk_body(i, carry):
        for b in range(2):
            ci = i * 2 + b

            @pl.when(ci < AGG_CHUNKS)
            def _():
                process(ci, b)
        return carry

    def process(ci, b):
        if True:
            xv = xbufs[b]
            pltpu.make_async_copy(x_hbm.at[rbufs[b]], xv, gsems[b]).wait()
            pltpu.make_async_copy(w_hbm.at[pl.ds(base + ci * CHUNK, CHUNK)],
                                  wv, sw).wait()

            def mul_body(r, c2):
                for cc in range(HIDDEN // LANES):
                    s = pl.ds(cc * LANES, LANES)
                    xv[r, s] = xv[r, s] * wv[r, s]
                return c2

            lax.fori_loop(0, CHUNK, mul_body, 0)

            @pl.when(ci + 1 < AGG_CHUNKS)
            def _():
                fire_w(ci + 1)

            pltpu.async_copy(xv, acc.at[cbufs[b]], ssems[b], add=True)

            @pl.when(ci + 2 < AGG_CHUNKS)
            def _():
                wait_scatter(b)
                fetch_and_fire(ci + 2, b)

    lax.fori_loop(0, (AGG_CHUNKS + 1) // 2, chunk_body, 0)
    wait_scatter(0)
    wait_scatter(1)
    plsc.subcore_barrier()
    pltpu.sync_copy(acc.at[tile_rows], out_hbm.at[tile_rows])


_BN = 2000


def _pre_body(h_ref, w_ref, o_ref):
    o_ref[...] = h_ref[...] @ w_ref[...]


_pre_kernel = pl.pallas_call(
    _pre_body,
    grid=(N_NODES // _BN,),
    in_specs=[
        pl.BlockSpec((_BN, HIDDEN), lambda i: (i, 0)),
        pl.BlockSpec((HIDDEN, NUM_FILTERS), lambda i: (0, 0)),
    ],
    out_specs=pl.BlockSpec((_BN, NUM_FILTERS), lambda i: (i, 0)),
    out_shape=jax.ShapeDtypeStruct((N_NODES, NUM_FILTERS), jnp.float32),
)


def _post_body(a_ref, w2_ref, b2_ref, lw_ref, lb_ref, o_ref):
    t = a_ref[...] @ w2_ref[...] + b2_ref[...]
    t = jax.nn.softplus(t) - _LOG2
    o_ref[...] = t @ lw_ref[...] + lb_ref[...]


_post_kernel = pl.pallas_call(
    _post_body,
    grid=(N_NODES // _BN,),
    in_specs=[
        pl.BlockSpec((_BN, NUM_FILTERS), lambda i: (i, 0)),
        pl.BlockSpec((NUM_FILTERS, HIDDEN), lambda i: (0, 0)),
        pl.BlockSpec((1, HIDDEN), lambda i: (0, 0)),
        pl.BlockSpec((HIDDEN, HIDDEN), lambda i: (0, 0)),
        pl.BlockSpec((1, HIDDEN), lambda i: (0, 0)),
    ],
    out_specs=pl.BlockSpec((_BN, HIDDEN), lambda i: (i, 0)),
    out_shape=jax.ShapeDtypeStruct((N_NODES, HIDDEN), jnp.float32),
)


def kernel(h, pos, edge_index, lin1_w, mlp_w1, mlp_b1, mlp_w2, mlp_b2,
           lin2_w, lin2_b, lin_w, lin_b):
    row = edge_index[0].astype(jnp.int32)
    col = edge_index[1].astype(jnp.int32)
    pad = E_PAD - N_EDGES
    row = jnp.concatenate([row, jnp.zeros((pad,), jnp.int32)])
    col = jnp.concatenate([col, jnp.zeros((pad,), jnp.int32)])

    posx = pos[:, 0]
    posy = pos[:, 1]
    posz = pos[:, 2]

    x = _pre_kernel(h, lin1_w)
    d2 = _d2_kernel(posx, posy, posz, row, col)
    ew2, cc2 = _scal_kernel(d2.reshape(_EROWS, 128))
    w1p = jnp.concatenate(
        [mlp_w1, jnp.zeros((GK - NUM_GAUSSIANS, NUM_FILTERS), jnp.float32)], axis=0)
    w_edge = _w_kernel(ew2.reshape(E_PAD, 1), cc2.reshape(E_PAD, 1),
                       w1p, mlp_b1.reshape(1, -1), mlp_w2, mlp_b2.reshape(1, -1))
    parts = _agg_kernel(x, w_edge, row, col)
    h_update = _post_kernel(parts, lin2_w, lin2_b.reshape(1, -1),
                            lin_w, lin_b.reshape(1, -1))
    return (h_update, pos)

# --- scband reference (transcript-rebuilt; emitter-appended) ---
"""Pipeline reference for scband-sch-net-interaction-old-77017353552163 (READ-ONLY COPY).

The authoritative reference and input builder live on the scoring server;
editing this copy changes nothing except your own understanding.
"""

import jax, jax.numpy as jnp
import numpy as np

HIDDEN = 128
NUM_GAUSSIANS = 50
NUM_FILTERS = 128
CUTOFF = 10.0
N_NODES = 10000
N_EDGES = 320000


def setup_inputs(seed: int = 0) -> dict:
    key = jax.random.key(seed)
    ks = jax.random.split(key, 12)
    h = jax.random.normal(ks[0], (N_NODES, HIDDEN), dtype=jnp.float32)
    pos = jax.random.normal(ks[1], (N_NODES, 3), dtype=jnp.float32)
    edge_index = jax.random.randint(ks[2], (2, N_EDGES), 0, N_NODES, dtype=jnp.int64)
    s = 0.05
    # CFConv filter-generating MLP: Linear(num_gaussians, num_filters) -> ssp -> Linear(num_filters, num_filters)
    mlp_w1 = jax.random.normal(ks[3], (NUM_GAUSSIANS, NUM_FILTERS), dtype=jnp.float32) * s
    mlp_b1 = jnp.zeros((NUM_FILTERS,), dtype=jnp.float32)
    mlp_w2 = jax.random.normal(ks[4], (NUM_FILTERS, NUM_FILTERS), dtype=jnp.float32) * s
    mlp_b2 = jnp.zeros((NUM_FILTERS,), dtype=jnp.float32)
    # CFConv lin1 (no bias), lin2 (bias)
    lin1_w = jax.random.normal(ks[5], (HIDDEN, NUM_FILTERS), dtype=jnp.float32) * s
    lin2_w = jax.random.normal(ks[6], (NUM_FILTERS, HIDDEN), dtype=jnp.float32) * s
    lin2_b = jnp.zeros((HIDDEN,), dtype=jnp.float32)
    # InteractionBlock output lin
    lin_w = jax.random.normal(ks[7], (HIDDEN, HIDDEN), dtype=jnp.float32) * s
    lin_b = jnp.zeros((HIDDEN,), dtype=jnp.float32)
    return {
        "h": h, "pos": pos, "edge_index": edge_index,
        "lin1_w": lin1_w, "mlp_w1": mlp_w1, "mlp_b1": mlp_b1,
        "mlp_w2": mlp_w2, "mlp_b2": mlp_b2, "lin2_w": lin2_w,
        "lin2_b": lin2_b, "lin_w": lin_w, "lin_b": lin_b,
    }


def _ssp(x):
    # ShiftedSoftplus
    return jax.nn.softplus(x) - jnp.log(2.0)


def reference(h, pos, edge_index, lin1_w, mlp_w1, mlp_b1, mlp_w2, mlp_b2, lin2_w, lin2_b, lin_w, lin_b):
    row = edge_index[0]
    col = edge_index[1]
    # edge_weight = ||pos[row] - pos[col]||
    diff = pos[row] - pos[col]
    edge_weight = jnp.sqrt(jnp.sum(diff * diff, axis=-1))
    # GaussianSmearing(0, cutoff, num_gaussians)
    offset = jnp.linspace(0.0, CUTOFF, NUM_GAUSSIANS)
    coeff = -0.5 / (offset[1] - offset[0]) ** 2
    edge_attr = jnp.exp(coeff * (edge_weight[:, None] - offset[None, :]) ** 2)
    # distance_decay_d0 is None -> attention/decay branch skipped
    # CFConv
    C = 0.5 * (jnp.cos(edge_weight * jnp.pi / CUTOFF) + 1.0)
    W = _ssp(edge_attr @ mlp_w1 + mlp_b1) @ mlp_w2 + mlp_b2
    W = W * C[:, None]
    x = h @ lin1_w
    msg = x[row] * W
    agg = jax.ops.segment_sum(msg, col, num_segments=h.shape[0])
    x = agg @ lin2_w + lin2_b
    # InteractionBlock: act then lin
    x = _ssp(x)
    h_update = x @ lin_w + lin_b
    return (h_update, pos)

if __name__ == "__main__":
    import jax
    _d = setup_inputs()
    print(jax.jit(kernel)(*tuple(_d.values())))

</pallas_src>

<mosaic_0001>
#map = affine_map<(d0, d1) -> (0)>
module attributes {stable_mosaic.version = 14 : i64} {
  func.func @_d2_kernel(%arg0: i32, %arg1: i32, %arg2: memref<10000xf32, #tpu.memory_space<hbm>>, %arg3: memref<10000xf32, #tpu.memory_space<hbm>>, %arg4: memref<10000xf32, #tpu.memory_space<hbm>>, %arg5: memref<323584xi32, #tpu.memory_space<hbm>>, %arg6: memref<323584xi32, #tpu.memory_space<hbm>>, %arg7: memref<323584xf32, #tpu.memory_space<hbm>>, %arg8: memref<10000xf32, #tpu.memory_space<vmem>>, %arg9: memref<10000xf32, #tpu.memory_space<vmem>>, %arg10: memref<10000xf32, #tpu.memory_space<vmem>>, %arg11: memref<10112xi32, #tpu.memory_space<vmem>>, %arg12: memref<10112xi32, #tpu.memory_space<vmem>>, %arg13: memref<10112xf32, #tpu.memory_space<vmem>>) attributes {dimension_semantics = [#tpu.dimension_semantics<core_parallel>, #tpu.dimension_semantics<subcore_parallel>], iteration_bounds = array<i64: 2, 16>, scalar_prefetch = 0 : i64, scratch_operands = 6 : i64, tpu.core_type = #tpu.core_type<sc_vector_subcore>, window_params = [{transform_indices = #map}, {transform_indices = #map}, {transform_indices = #map}, {transform_indices = #map}, {transform_indices = #map}, {transform_indices = #map}]} {
    %mul3A = arith.constant 2 : i32
    %mul3A_0 = arith.muli %arg1, %mul3A : i32
    %add3A = arith.addi %mul3A_0, %arg0 : i32
    %mul3A_1 = arith.constant 10112 : i32
    %mul3A_2 = arith.muli %add3A, %mul3A_1 : i32
    "tpu.region"() ({
      %run_scoped3A = tpu.sem_alloc : memref<!tpu.dma_semaphore, #tpu.memory_space<semaphore_mem>>
      tpu.enqueue_dma source(%arg2 : memref<10000xf32, #tpu.memory_space<hbm>>) target(%arg8 : memref<10000xf32, #tpu.memory_space<vmem>>) target_semaphore(%run_scoped3A : memref<!tpu.dma_semaphore, #tpu.memory_space<semaphore_mem>>)
      tpu.wait_dma2 semaphore(%run_scoped3A : memref<!tpu.dma_semaphore, #tpu.memory_space<semaphore_mem>>) src(%arg2 : memref<10000xf32, #tpu.memory_space<hbm>>) dst(%arg8 : memref<10000xf32, #tpu.memory_space<vmem>>)
      tpu.yield
    }) : () -> ()
    "tpu.region"() ({
      %run_scoped3A = tpu.sem_alloc : memref<!tpu.dma_semaphore, #tpu.memory_space<semaphore_mem>>
      tpu.enqueue_dma source(%arg3 : memref<10000xf32, #tpu.memory_space<hbm>>) target(%arg9 : memref<10000xf32, #tpu.memory_space<vmem>>) target_semaphore(%run_scoped3A : memref<!tpu.dma_semaphore, #tpu.memory_space<semaphore_mem>>)
      tpu.wait_dma2 semaphore(%run_scoped3A : memref<!tpu.dma_semaphore, #tpu.memory_space<semaphore_mem>>) src(%arg3 : memref<10000xf32, #tpu.memory_space<hbm>>) dst(%arg9 : memref<10000xf32, #tpu.memory_space<vmem>>)
      tpu.yield
    }) : () -> ()
    "tpu.region"() ({
      %run_scoped3A = tpu.sem_alloc : memref<!tpu.dma_semaphore, #tpu.memory_space<semaphore_mem>>
      tpu.enqueue_dma source(%arg4 : memref<10000xf32, #tpu.memory_space<hbm>>) target(%arg10 : memref<10000xf32, #tpu.memory_space<vmem>>) target_semaphore(%run_scoped3A : memref<!tpu.dma_semaphore, #tpu.memory_space<semaphore_mem>>)
      tpu.wait_dma2 semaphore(%run_scoped3A : memref<!tpu.dma_semaphore, #tpu.memory_space<semaphore_mem>>) src(%arg4 : memref<10000xf32, #tpu.memory_space<hbm>>) dst(%arg10 : memref<10000xf32, #tpu.memory_space<vmem>>)
      tpu.yield
    }) : () -> ()
    "tpu.region"() ({
      %run_scoped3A = tpu.sem_alloc : memref<!tpu.dma_semaphore, #tpu.memory_space<semaphore_mem>>
      %dma_start3A = tpu.memref_slice %arg5[%mul3A_2] : memref<323584xi32, #tpu.memory_space<hbm>> -> memref<10112xi32, #tpu.memory_space<hbm>>
      %dma_start3A_8 = tpu.memref_slice %arg5[%mul3A_2] : memref<323584xi32, #tpu.memory_space<hbm>> -> memref<10112xi32, #tpu.memory_space<hbm>>
      tpu.enqueue_dma source(%dma_start3A_8 : memref<10112xi32, #tpu.memory_space<hbm>>) target(%arg11 : memref<10112xi32, #tpu.memory_space<vmem>>) target_semaphore(%run_scoped3A : memref<!tpu.dma_semaphore, #tpu.memory_space<semaphore_mem>>)
      %dma_wait3A = tpu.memref_slice %arg5[%mul3A_2] : memref<323584xi32, #tpu.memory_space<hbm>> -> memref<10112xi32, #tpu.memory_space<hbm>>
      %dma_wait3A_9 = tpu.memref_slice %arg5[%mul3A_2] : memref<323584xi32, #tpu.memory_space<hbm>> -> memref<10112xi32, #tpu.memory_space<hbm>>
      tpu.wait_dma2 semaphore(%run_scoped3A : memref<!tpu.dma_semaphore, #tpu.memory_space<semaphore_mem>>) src(%dma_wait3A_9 : memref<10112xi32, #tpu.memory_space<hbm>>) dst(%arg11 : memref<10112xi32, #tpu.memory_space<vmem>>)
      tpu.yield
    }) : () -> ()
    "tpu.region"() ({
      %run_scoped3A = tpu.sem_alloc : memref<!tpu.dma_semaphore, #tpu.memory_space<semaphore_mem>>
      %dma_start3A = tpu.memref_slice %arg6[%mul3A_2] : memref<323584xi32, #tpu.memory_space<hbm>> -> memref<10112xi32, #tpu.memory_space<hbm>>
      %dma_start3A_8 = tpu.memref_slice %arg6[%mul3A_2] : memref<323584xi32, #tpu.memory_space<hbm>> -> memref<10112xi32, #tpu.memory_space<hbm>>
      tpu.enqueue_dma source(%dma_start3A_8 : memref<10112xi32, #tpu.memory_space<hbm>>) target(%arg12 : memref<10112xi32, #tpu.memory_space<vmem>>) target_semaphore(%run_scoped3A : memref<!tpu.dma_semaphore, #tpu.memory_space<semaphore_mem>>)
      %dma_wait3A = tpu.memref_slice %arg6[%mul3A_2] : memref<323584xi32, #tpu.memory_space<hbm>> -> memref<10112xi32, #tpu.memory_space<hbm>>
      %dma_wait3A_9 = tpu.memref_slice %arg6[%mul3A_2] : memref<323584xi32, #tpu.memory_space<hbm>> -> memref<10112xi32, #tpu.memory_space<hbm>>
      tpu.wait_dma2 semaphore(%run_scoped3A : memref<!tpu.dma_semaphore, #tpu.memory_space<semaphore_mem>>) src(%dma_wait3A_9 : memref<10112xi32, #tpu.memory_space<hbm>>) dst(%arg12 : memref<10112xi32, #tpu.memory_space<vmem>>)
      tpu.yield
    }) : () -> ()
    %scan3A = arith.constant 0 : i32
    %scan3A_3 = arith.constant 0 : i32
    %scan3A_4 = arith.constant 632 : i32
    %scan3A_5 = arith.addi %scan3A_3, %scan3A_4 : i32
    %scan3A_6 = arith.constant 1 : i32
    scf.for %scan3A_8 = %scan3A_3 to %scan3A_5 step %scan3A_6  : i32 {
      %mul3A_9 = arith.constant 16 : i32
      %mul3A_10 = arith.muli %scan3A_8, %mul3A_9 : i32
      %get3A = arith.index_cast %mul3A_10 : i32 to index
      %get3A_11 = tpu.vector_load %arg11[%get3A] {strides = array<i32>} : memref<10112xi32, #tpu.memory_space<vmem>>, vector<16xi32>,
      %get3A_12 = arith.index_cast %mul3A_10 : i32 to index
      %get3A_13 = tpu.vector_load %arg12[%get3A_12] {strides = array<i32>} : memref<10112xi32, #tpu.memory_space<vmem>>, vector<16xi32>,
      %gather3A = tpu.vector_load_idx %arg8[%get3A_11] : memref<10000xf32, #tpu.memory_space<vmem>>[vector<16xi32>], vector<16xf32>,
      %gather3A_14 = tpu.vector_load_idx %arg8[%get3A_13] : memref<10000xf32, #tpu.memory_space<vmem>>[vector<16xi32>], vector<16xf32>,
      %sub3A = arith.subf %gather3A, %gather3A_14 : vector<16xf32>
      %gather3A_15 = tpu.vector_load_idx %arg9[%get3A_11] : memref<10000xf32, #tpu.memory_space<vmem>>[vector<16xi32>], vector<16xf32>,
      %gather3A_16 = tpu.vector_load_idx %arg9[%get3A_13] : memref<10000xf32, #tpu.memory_space<vmem>>[vector<16xi32>], vector<16xf32>,
      %sub3A_17 = arith.subf %gather3A_15, %gather3A_16 : vector<16xf32>
      %gather3A_18 = tpu.vector_load_idx %arg10[%get3A_11] : memref<10000xf32, #tpu.memory_space<vmem>>[vector<16xi32>], vector<16xf32>,
      %gather3A_19 = tpu.vector_load_idx %arg10[%get3A_13] : memref<10000xf32, #tpu.memory_space<vmem>>[vector<16xi32>], vector<16xf32>,
      %sub3A_20 = arith.subf %gather3A_18, %gather3A_19 : vector<16xf32>
      %mul3A_21 = arith.mulf %sub3A, %sub3A : vector<16xf32>
      %mul3A_22 = arith.mulf %sub3A_17, %sub3A_17 : vector<16xf32>
      %add3A_23 = arith.addf %mul3A_21, %mul3A_22 : vector<16xf32>
      %mul3A_24 = arith.mulf %sub3A_20, %sub3A_20 : vector<16xf32>
      %add3A_25 = arith.addf %add3A_23, %mul3A_24 : vector<16xf32>
      %swap3A = arith.index_cast %mul3A_10 : i32 to index
      %swap3A_26 = tpu.vector_load %arg13[%swap3A] {strides = array<i32>} : memref<10112xf32, #tpu.memory_space<vmem>>, vector<16xf32>,
      tpu.vector_store %arg13[%swap3A], %add3A_25 {strides = array<i32>} : memref<10112xf32, #tpu.memory_space<vmem>>, vector<16xf32>,
    }
    %scan3A_7 = arith.constant 632 : i32
    "tpu.region"() ({
      %run_scoped3A = tpu.sem_alloc : memref<!tpu.dma_semaphore, #tpu.memory_space<semaphore_mem>>
      %dma_start3A = tpu.memref_slice %arg7[%mul3A_2] : memref<323584xf32, #tpu.memory_space<hbm>> -> memref<10112xf32, #tpu.memory_space<hbm>>
      %dma_start3A_8 = tpu.memref_slice %arg7[%mul3A_2] : memref<323584xf32, #tpu.memory_space<hbm>> -> memref<10112xf32, #tpu.memory_space<hbm>>
      tpu.enqueue_dma source(%arg13 : memref<10112xf32, #tpu.memory_space<vmem>>) target(%dma_start3A_8 : memref<10112xf32, #tpu.memory_space<hbm>>) target_semaphore(%run_scoped3A : memref<!tpu.dma_semaphore, #tpu.memory_space<semaphore_mem>>)
      %dma_wait3A = tpu.memref_slice %arg7[%mul3A_2] : memref<323584xf32, #tpu.memory_space<hbm>> -> memref<10112xf32, #tpu.memory_space<hbm>>
      %dma_wait3A_9 = tpu.memref_slice %arg7[%mul3A_2] : memref<323584xf32, #tpu.memory_space<hbm>> -> memref<10112xf32, #tpu.memory_space<hbm>>
      tpu.wait_dma2 semaphore(%run_scoped3A : memref<!tpu.dma_semaphore, #tpu.memory_space<semaphore_mem>>) src(%arg13 : memref<10112xf32, #tpu.memory_space<vmem>>) dst(%dma_wait3A_9 : memref<10112xf32, #tpu.memory_space<hbm>>)
      tpu.yield
    }) : () -> ()
    return
  }
}

#map = affine_map<(d0, d1) -> (0, 0)>
#map1 = affine_map<(d0, d1) -> (0)>
module attributes {stable_mosaic.version = 14 : i64} {
  func.func @_agg_kernel(%arg0: i32, %arg1: i32, %arg2: memref<10000x128xf32, #tpu.memory_space<hbm>>, %arg3: memref<323584x128xf32, #tpu.memory_space<hbm>>, %arg4: memref<323584xi32, #tpu.memory_space<hbm>>, %arg5: memref<323584xi32, #tpu.memory_space<hbm>>, %arg6: memref<10112x128xf32, #tpu.memory_space<hbm>>, %arg7: memref<128xi32, #tpu.memory_space<vmem>>, %arg8: memref<128xi32, #tpu.memory_space<vmem>>, %arg9: memref<128xi32, #tpu.memory_space<vmem>>, %arg10: memref<128xi32, #tpu.memory_space<vmem>>, %arg11: memref<128x128xf32, #tpu.memory_space<vmem>>, %arg12: memref<128x128xf32, #tpu.memory_space<vmem>>, %arg13: memref<128x128xf32, #tpu.memory_space<vmem>>, %arg14: memref<10112x128xf32, #tpu.memory_space<vmem_shared>>, %arg15: memref<!tpu.dma_semaphore, #tpu.memory_space<semaphore_mem>>, %arg16: memref<!tpu.dma_semaphore, #tpu.memory_space<semaphore_mem>>, %arg17: memref<!tpu.dma_semaphore, #tpu.memory_space<semaphore_mem>>, %arg18: memref<!tpu.dma_semaphore, #tpu.memory_space<semaphore_mem>>, %arg19: memref<!tpu.dma_semaphore, #tpu.memory_space<semaphore_mem>>, %arg20: memref<!tpu.dma_semaphore, #tpu.memory_space<semaphore_mem>>, %arg21: memref<!tpu.dma_semaphore, #tpu.memory_space<semaphore_mem>>) attributes {dimension_semantics = [#tpu.dimension_semantics<core_parallel>, #tpu.dimension_semantics<subcore_parallel>], iteration_bounds = array<i64: 1, 16>, scalar_prefetch = 0 : i64, scratch_operands = 15 : i64, tpu.core_type = #tpu.core_type<sc_vector_subcore>, window_params = [{transform_indices = #map}, {transform_indices = #map}, {transform_indices = #map1}, {transform_indices = #map1}, {transform_indices = #map}]} {
    %mul3A = arith.constant 632 : i32
    %mul3A_0 = arith.muli %arg1, %mul3A : i32
    %scan3A = arith.constant 0 : i32
    %scan3A_1 = arith.constant 0 : i32
    %scan3A_2 = arith.constant 128 : i32
    %scan3A_3 = arith.addi %scan3A_1, %scan3A_2 : i32
    %scan3A_4 = arith.constant 1 : i32
    scf.for %scan3A_74 = %scan3A_1 to %scan3A_3 step %scan3A_4  : i32 {
      %broadcast_in_dim3A = arith.constant 0.000000e+00 : f32
      %broadcast_in_dim3A_75 = vector.broadcast %broadcast_in_dim3A : f32 to vector<16xf32>
      %swap3A = arith.index_cast %scan3A_74 : i32 to index
      %swap3A_76 = arith.constant 0 : index
      %swap3A_77 = tpu.vector_load %arg13[%swap3A, %swap3A_76] {strides = array<i32>} : memref<128x128xf32, #tpu.memory_space<vmem>>, vector<16xf32>,
      tpu.vector_store %arg13[%swap3A, %swap3A_76], %broadcast_in_dim3A_75 {strides = array<i32>} : memref<128x128xf32, #tpu.memory_space<vmem>>, vector<16xf32>,
      %broadcast_in_dim3A_78 = arith.constant 0.000000e+00 : f32
      %broadcast_in_dim3A_79 = vector.broadcast %broadcast_in_dim3A_78 : f32 to vector<16xf32>
      %swap3A_80 = arith.index_cast %scan3A_74 : i32 to index
      %swap3A_81 = arith.constant 16 : index
      %swap3A_82 = tpu.vector_load %arg13[%swap3A_80, %swap3A_81] {strides = array<i32>} : memref<128x128xf32, #tpu.memory_space<vmem>>, vector<16xf32>,
      tpu.vector_store %arg13[%swap3A_80, %swap3A_81], %broadcast_in_dim3A_79 {strides = array<i32>} : memref<128x128xf32, #tpu.memory_space<vmem>>, vector<16xf32>,
      %broadcast_in_dim3A_83 = arith.constant 0.000000e+00 : f32
      %broadcast_in_dim3A_84 = vector.broadcast %broadcast_in_dim3A_83 : f32 to vector<16xf32>
      %swap3A_85 = arith.index_cast %scan3A_74 : i32 to index
      %swap3A_86 = arith.constant 32 : index
      %swap3A_87 = tpu.vector_load %arg13[%swap3A_85, %swap3A_86] {strides = array<i32>} : memref<128x128xf32, #tpu.memory_space<vmem>>, vector<16xf32>,
      tpu.vector_store %arg13[%swap3A_85, %swap3A_86], %broadcast_in_dim3A_84 {strides = array<i32>} : memref<128x128xf32, #tpu.memory_space<vmem>>, vector<16xf32>,
      %broadcast_in_dim3A_88 = arith.constant 0.000000e+00 : f32
      %broadcast_in_dim3A_89 = vector.broadcast %broadcast_in_dim3A_88 : f32 to vector<16xf32>
      %swap3A_90 = arith.index_cast %scan3A_74 : i32 to index
      %swap3A_91 = arith.constant 48 : index
      %swap3A_92 = tpu.vector_load %arg13[%swap3A_90, %swap3A_91] {strides = array<i32>} : memref<128x128xf32, #tpu.memory_space<vmem>>, vector<16xf32>,
      tpu.vector_store %arg13[%swap3A_90, %swap3A_91], %broadcast_in_dim3A_89 {strides = array<i32>} : memref<128x128xf32, #tpu.memory_space<vmem>>, vector<16xf32>,
      %broadcast_in_dim3A_93 = arith.constant 0.000000e+00 : f32
      %broadcast_in_dim3A_94 = vector.broadcast %broadcast_in_dim3A_93 : f32 to vector<16xf32>
      %swap3A_95 = arith.index_cast %scan3A_74 : i32 to index
      %swap3A_96 = arith.constant 64 : index
      %swap3A_97 = tpu.vector_load %arg13[%swap3A_95, %swap3A_96] {strides = array<i32>} : memref<128x128xf32, #tpu.memory_space<vmem>>, vector<16xf32>,
      tpu.vector_store %arg13[%swap3A_95, %swap3A_96], %broadcast_in_dim3A_94 {strides = array<i32>} : memref<128x128xf32, #tpu.memory_space<vmem>>, vector<16xf32>,
      %broadcast_in_dim3A_98 = arith.constant 0.000000e+00 : f32
      %broadcast_in_dim3A_99 = vector.broadcast %broadcast_in_dim3A_98 : f32 to vector<16xf32>
      %swap3A_100 = arith.index_cast %scan3A_74 : i32 to index
      %swap3A_101 = arith.constant 80 : index
      %swap3A_102 = tpu.vector_load %arg13[%swap3A_100, %swap3A_101] {strides = array<i32>} : memref<128x128xf32, #tpu.memory_space<vmem>>, vector<16xf32>,
      tpu.vector_store %arg13[%swap3A_100, %swap3A_101], %broadcast_in_dim3A_99 {strides = array<i32>} : memref<128x128xf32, #tpu.memory_space<vmem>>, vector<16xf32>,
      %broadcast_in_dim3A_103 = arith.constant 0.000000e+00 : f32
      %broadcast_in_dim3A_104 = vector.broadcast %broadcast_in_dim3A_103 : f32 to vector<16xf32>
      %swap3A_105 = arith.index_cast %scan3A_74 : i32 to index
      %swap3A_106 = arith.constant 96 : index
      %swap3A_107 = tpu.vector_load %arg13[%swap3A_105, %swap3A_106] {strides = array<i32>} : memref<128x128xf32, #tpu.memory_space<vmem>>, vector<16xf32>,
      tpu.vector_store %arg13[%swap3A_105, %swap3A_106], %broadcast_in_dim3A_104 {strides = array<i32>} : memref<128x128xf32, #tpu.memory_space<vmem>>, vector<16xf32>,
      %broadcast_in_dim3A_108 = arith.constant 0.000000e+00 : f32
      %broadcast_in_dim3A_109 = vector.broadcast %broadcast_in_dim3A_108 : f32 to vector<16xf32>
      %swap3A_110 = arith.index_cast %scan3A_74 : i32 to index
      %swap3A_111 = arith.constant 112 : index
      %swap3A_112 = tpu.vector_load %arg13[%swap3A_110, %swap3A_111] {strides = array<i32>} : memref<128x128xf32, #tpu.memory_space<vmem>>, vector<16xf32>,
      tpu.vector_store %arg13[%swap3A_110, %swap3A_111], %broadcast_in_dim3A_109 {strides = array<i32>} : memref<128x128xf32, #tpu.memory_space<vmem>>, vector<16xf32>,
    }
    %scan3A_5 = arith.constant 128 : i32
    %mul3A_6 = arith.constant 632 : i32
    %mul3A_7 = arith.muli %arg1, %mul3A_6 : i32
    %add3A = arith.constant 0 : i32
    %add3A_8 = arith.addi %mul3A_7, %add3A : i32
    "tpu.region"() ({
      %run_scoped3A = tpu.sem_alloc : memref<!tpu.dma_semaphore, #tpu.memory_space<semaphore_mem>>
      %dma_start3A_74 = arith.constant 0 : i32
      %dma_start3A_75 = tpu.memref_slice %arg14[%add3A_8, %dma_start3A_74] : memref<10112x128xf32, #tpu.memory_space<vmem_shared>> -> memref<128x128xf32, #tpu.memory_space<vmem_shared>>
      %dma_start3A_76 = arith.constant 0 : i32
      %dma_start3A_77 = tpu.memref_slice %arg14[%add3A_8, %dma_start3A_76] : memref<10112x128xf32, #tpu.memory_space<vmem_shared>> -> memref<128x128xf32, #tpu.memory_space<vmem_shared>>
      tpu.enqueue_dma source(%arg13 : memref<128x128xf32, #tpu.memory_space<vmem>>) target(%dma_start3A_77 : memref<128x128xf32, #tpu.memory_space<vmem_shared>>) target_semaphore(%run_scoped3A : memref<!tpu.dma_semaphore, #tpu.memory_space<semaphore_mem>>)
      %dma_wait3A_78 = arith.constant 0 : i32
      %dma_wait3A_79 = tpu.memref_slice %arg14[%add3A_8, %dma_wait3A_78] : memref<10112x128xf32, #tpu.memory_space<vmem_shared>> -> memref<128x128xf32, #tpu.memory_space<vmem_shared>>
      %dma_wait3A_80 = arith.constant 0 : i32
      %dma_wait3A_81 = tpu.memref_slice %arg14[%add3A_8, %dma_wait3A_80] : memref<10112x128xf32, #tpu.memory_space<vmem_shared>> -> memref<128x128xf32, #tpu.memory_space<vmem_shared>>
      tpu.wait_dma2 semaphore(%run_scoped3A : memref<!tpu.dma_semaphore, #tpu.memory_space<semaphore_mem>>) src(%arg13 : memref<128x128xf32, #tpu.memory_space<vmem>>) dst(%dma_wait3A_81 : memref<128x128xf32, #tpu.memory_space<vmem_shared>>)
      tpu.yield
    }) : () -> ()
    %mul3A_9 = arith.constant 632 : i32
    %mul3A_10 = arith.muli %arg1, %mul3A_9 : i32
    %add3A_11 = arith.constant 128 : i32
    %add3A_12 = arith.addi %mul3A_10, %add3A_11 : i32
    "tpu.region"() ({
      %run_scoped3A = tpu.sem_alloc : memref<!tpu.dma_semaphore, #tpu.memory_space<semaphore_mem>>
      %dma_start3A_74 = arith.constant 0 : i32
      %dma_start3A_75 = tpu.memref_slice %arg14[%add3A_12, %dma_start3A_74] : memref<10112x128xf32, #tpu.memory_space<vmem_shared>> -> memref<128x128xf32, #tpu.memory_space<vmem_shared>>
      %dma_start3A_76 = arith.constant 0 : i32
      %dma_start3A_77 = tpu.memref_slice %arg14[%add3A_12, %dma_start3A_76] : memref<10112x128xf32, #tpu.memory_space<vmem_shared>> -> memref<128x128xf32, #tpu.memory_space<vmem_shared>>
      tpu.enqueue_dma source(%arg13 : memref<128x128xf32, #tpu.memory_space<vmem>>) target(%dma_start3A_77 : memref<128x128xf32, #tpu.memory_space<vmem_shared>>) target_semaphore(%run_scoped3A : memref<!tpu.dma_semaphore, #tpu.memory_space<semaphore_mem>>)
      %dma_wait3A_78 = arith.constant 0 : i32
      %dma_wait3A_79 = tpu.memref_slice %arg14[%add3A_12, %dma_wait3A_78] : memref<10112x128xf32, #tpu.memory_space<vmem_shared>> -> memref<128x128xf32, #tpu.memory_space<vmem_shared>>
      %dma_wait3A_80 = arith.constant 0 : i32
      %dma_wait3A_81 = tpu.memref_slice %arg14[%add3A_12, %dma_wait3A_80] : memref<10112x128xf32, #tpu.memory_space<vmem_shared>> -> memref<128x128xf32, #tpu.memory_space<vmem_shared>>
      tpu.wait_dma2 semaphore(%run_scoped3A : memref<!tpu.dma_semaphore, #tpu.memory_space<semaphore_mem>>) src(%arg13 : memref<128x128xf32, #tpu.memory_space<vmem>>) dst(%dma_wait3A_81 : memref<128x128xf32, #tpu.memory_space<vmem_shared>>)
      tpu.yield
    }) : () -> ()
    %mul3A_13 = arith.constant 632 : i32
    %mul3A_14 = arith.muli %arg1, %mul3A_13 : i32
    %add3A_15 = arith.constant 256 : i32
    %add3A_16 = arith.addi %mul3A_14, %add3A_15 : i32
    "tpu.region"() ({
      %run_scoped3A = tpu.sem_alloc : memref<!tpu.dma_semaphore, #tpu.memory_space<semaphore_mem>>
      %dma_start3A_74 = arith.constant 0 : i32
      %dma_start3A_75 = tpu.memref_slice %arg14[%add3A_16, %dma_start3A_74] : memref<10112x128xf32, #tpu.memory_space<vmem_shared>> -> memref<128x128xf32, #tpu.memory_space<vmem_shared>>
      %dma_start3A_76 = arith.constant 0 : i32
      %dma_start3A_77 = tpu.memref_slice %arg14[%add3A_16, %dma_start3A_76] : memref<10112x128xf32, #tpu.memory_space<vmem_shared>> -> memref<128x128xf32, #tpu.memory_space<vmem_shared>>
      tpu.enqueue_dma source(%arg13 : memref<128x128xf32, #tpu.memory_space<vmem>>) target(%dma_start3A_77 : memref<128x128xf32, #tpu.memory_space<vmem_shared>>) target_semaphore(%run_scoped3A : memref<!tpu.dma_semaphore, #tpu.memory_space<semaphore_mem>>)
      %dma_wait3A_78 = arith.constant 0 : i32
      %dma_wait3A_79 = tpu.memref_slice %arg14[%add3A_16, %dma_wait3A_78] : memref<10112x128xf32, #tpu.memory_space<vmem_shared>> -> memref<128x128xf32, #tpu.memory_space<vmem_shared>>
      %dma_wait3A_80 = arith.constant 0 : i32
      %dma_wait3A_81 = tpu.memref_slice %arg14[%add3A_16, %dma_wait3A_80] : memref<10112x128xf32, #tpu.memory_space<vmem_shared>> -> memref<128x128xf32, #tpu.memory_space<vmem_shared>>
      tpu.wait_dma2 semaphore(%run_scoped3A : memref<!tpu.dma_semaphore, #tpu.memory_space<semaphore_mem>>) src(%arg13 : memref<128x128xf32, #tpu.memory_space<vmem>>) dst(%dma_wait3A_81 : memref<128x128xf32, #tpu.memory_space<vmem_shared>>)
      tpu.yield
    }) : () -> ()
    %mul3A_17 = arith.constant 632 : i32
    %mul3A_18 = arith.muli %arg1, %mul3A_17 : i32
    %add3A_19 = arith.constant 384 : i32
    %add3A_20 = arith.addi %mul3A_18, %add3A_19 : i32
    "tpu.region"() ({
      %run_scoped3A = tpu.sem_alloc : memref<!tpu.dma_semaphore, #tpu.memory_space<semaphore_mem>>
      %dma_start3A_74 = arith.constant 0 : i32
      %dma_start3A_75 = tpu.memref_slice %arg14[%add3A_20, %dma_start3A_74] : memref<10112x128xf32, #tpu.memory_space<vmem_shared>> -> memref<128x128xf32, #tpu.memory_space<vmem_shared>>
      %dma_start3A_76 = arith.constant 0 : i32
      %dma_start3A_77 = tpu.memref_slice %arg14[%add3A_20, %dma_start3A_76] : memref<10112x128xf32, #tpu.memory_space<vmem_shared>> -> memref<128x128xf32, #tpu.memory_space<vmem_shared>>
      tpu.enqueue_dma source(%arg13 : memref<128x128xf32, #tpu.memory_space<vmem>>) target(%dma_start3A_77 : memref<128x128xf32, #tpu.memory_space<vmem_shared>>) target_semaphore(%run_scoped3A : memref<!tpu.dma_semaphore, #tpu.memory_space<semaphore_mem>>)
      %dma_wait3A_78 = arith.constant 0 : i32
      %dma_wait3A_79 = tpu.memref_slice %arg14[%add3A_20, %dma_wait3A_78] : memref<10112x128xf32, #tpu.memory_space<vmem_shared>> -> memref<128x128xf32, #tpu.memory_space<vmem_shared>>
      %dma_wait3A_80 = arith.constant 0 : i32
      %dma_wait3A_81 = tpu.memref_slice %arg14[%add3A_20, %dma_wait3A_80] : memref<10112x128xf32, #tpu.memory_space<vmem_shared>> -> memref<128x128xf32, #tpu.memory_space<vmem_shared>>
      tpu.wait_dma2 semaphore(%run_scoped3A : memref<!tpu.dma_semaphore, #tpu.memory_space<semaphore_mem>>) src(%arg13 : memref<128x128xf32, #tpu.memory_space<vmem>>) dst(%dma_wait3A_81 : memref<128x128xf32, #tpu.memory_space<vmem_shared>>)
      tpu.yield
    }) : () -> ()
    %mul3A_21 = arith.constant 632 : i32
    %mul3A_22 = arith.muli %arg1, %mul3A_21 : i32
    %add3A_23 = arith.constant 512 : i32
    %add3A_24 = arith.addi %mul3A_22, %add3A_23 : i32
    "tpu.region"() ({
      %run_scoped3A = tpu.sem_alloc : memref<!tpu.dma_semaphore, #tpu.memory_space<semaphore_mem>>
      %dma_start3A_74 = arith.constant 0 : i32
      %dma_start3A_75 = arith.constant 0 : i32
      %dma_start3A_76 = tpu.memref_slice %arg13[%dma_start3A_74, %dma_start3A_75] : memref<128x128xf32, #tpu.memory_space<vmem>> -> memref<120x128xf32, #tpu.memory_space<vmem>>
      %dma_start3A_77 = arith.constant 0 : i32
      %dma_start3A_78 = tpu.memref_slice %arg14[%add3A_24, %dma_start3A_77] : memref<10112x128xf32, #tpu.memory_space<vmem_shared>> -> memref<120x128xf32, #tpu.memory_space<vmem_shared>>
      %dma_start3A_79 = arith.constant 0 : i32
      %dma_start3A_80 = tpu.memref_slice %arg14[%add3A_24, %dma_start3A_79] : memref<10112x128xf32, #tpu.memory_space<vmem_shared>> -> memref<120x128xf32, #tpu.memory_space<vmem_shared>>
      %dma_start3A_81 = arith.constant 0 : i32
      %dma_start3A_82 = arith.constant 0 : i32
      %dma_start3A_83 = tpu.memref_slice %arg13[%dma_start3A_81, %dma_start3A_82] : memref<128x128xf32, #tpu.memory_space<vmem>> -> memref<120x128xf32, #tpu.memory_space<vmem>>
      tpu.enqueue_dma source(%dma_start3A_83 : memref<120x128xf32, #tpu.memory_space<vmem>>) target(%dma_start3A_80 : memref<120x128xf32, #tpu.memory_space<vmem_shared>>) target_semaphore(%run_scoped3A : memref<!tpu.dma_semaphore, #tpu.memory_space<semaphore_mem>>)
      %dma_wait3A_84 = arith.constant 0 : i32
      %dma_wait3A_85 = arith.constant 0 : i32
      %dma_wait3A_86 = tpu.memref_slice %arg13[%dma_wait3A_84, %dma_wait3A_85] : memref<128x128xf32, #tpu.memory_space<vmem>> -> memref<120x128xf32, #tpu.memory_space<vmem>>
      %dma_wait3A_87 = arith.constant 0 : i32
      %dma_wait3A_88 = tpu.memref_slice %arg14[%add3A_24, %dma_wait3A_87] : memref<10112x128xf32, #tpu.memory_space<vmem_shared>> -> memref<120x128xf32, #tpu.memory_space<vmem_shared>>
      %dma_wait3A_89 = arith.constant 0 : i32
      %dma_wait3A_90 = tpu.memref_slice %arg14[%add3A_24, %dma_wait3A_89] : memref<10112x128xf32, #tpu.memory_space<vmem_shared>> -> memref<120x128xf32, #tpu.memory_space<vmem_shared>>
      %dma_wait3A_91 = arith.constant 0 : i32
      %dma_wait3A_92 = arith.constant 0 : i32
      %dma_wait3A_93 = tpu.memref_slice %arg13[%dma_wait3A_91, %dma_wait3A_92] : memref<128x128xf32, #tpu.memory_space<vmem>> -> memref<120x128xf32, #tpu.memory_space<vmem>>
      tpu.wait_dma2 semaphore(%run_scoped3A : memref<!tpu.dma_semaphore, #tpu.memory_space<semaphore_mem>>) src(%dma_wait3A_93 : memref<120x128xf32, #tpu.memory_space<vmem>>) dst(%dma_wait3A_90 : memref<120x128xf32, #tpu.memory_space<vmem_shared>>)
      tpu.yield
    }) : () -> ()
    %barrier3A = arith.constant 0 : index
    tpu.barrier barrier_id(%barrier3A)
    %mul3A_25 = arith.constant 20224 : i32
    %mul3A_26 = arith.muli %arg1, %mul3A_25 : i32
    %add3A_27 = arith.constant 0 : i32
    %add3A_28 = arith.addi %mul3A_26, %add3A_27 : i32
    %dma_start3A = tpu.memref_slice %arg4[%add3A_28] : memref<323584xi32, #tpu.memory_space<hbm>> -> memref<128xi32, #tpu.memory_space<hbm>>
    %dma_start3A_29 = tpu.memref_slice %arg4[%add3A_28] : memref<323584xi32, #tpu.memory_space<hbm>> -> memref<128xi32, #tpu.memory_space<hbm>>
    tpu.enqueue_dma source(%dma_start3A_29 : memref<128xi32, #tpu.memory_space<hbm>>) target(%arg7 : memref<128xi32, #tpu.memory_space<vmem>>) target_semaphore(%arg17 : memref<!tpu.dma_semaphore, #tpu.memory_space<semaphore_mem>>)
    %add3A_30 = arith.constant 0 : i32
    %add3A_31 = arith.addi %mul3A_26, %add3A_30 : i32
    %dma_start3A_32 = tpu.memref_slice %arg5[%add3A_31] : memref<323584xi32, #tpu.memory_space<hbm>> -> memref<128xi32, #tpu.memory_space<hbm>>
    %dma_start3A_33 = tpu.memref_slice %arg5[%add3A_31] : memref<323584xi32, #tpu.memory_space<hbm>> -> memref<128xi32, #tpu.memory_space<hbm>>
    tpu.enqueue_dma source(%dma_start3A_33 : memref<128xi32, #tpu.memory_space<hbm>>) target(%arg9 : memref<128xi32, #tpu.memory_space<vmem>>) target_semaphore(%arg17 : memref<!tpu.dma_semaphore, #tpu.memory_space<semaphore_mem>>)
    %dma_wait3A = tpu.memref_slice %arg4[%add3A_28] : memref<323584xi32, #tpu.memory_space<hbm>> -> memref<128xi32, #tpu.memory_space<hbm>>
    %dma_wait3A_34 = tpu.memref_slice %arg4[%add3A_28] : memref<323584xi32, #tpu.memory_space<hbm>> -> memref<128xi32, #tpu.memory_space<hbm>>
    tpu.wait_dma2 semaphore(%arg17 : memref<!tpu.dma_semaphore, #tpu.memory_space<semaphore_mem>>) src(%dma_wait3A_34 : memref<128xi32, #tpu.memory_space<hbm>>) dst(%arg7 : memref<128xi32, #tpu.memory_space<vmem>>)
    %dma_wait3A_35 = tpu.memref_slice %arg5[%add3A_31] : memref<323584xi32, #tpu.memory_space<hbm>> -> memref<128xi32, #tpu.memory_space<hbm>>
    %dma_wait3A_36 = tpu.memref_slice %arg5[%add3A_31] : memref<323584xi32, #tpu.memory_space<hbm>> -> memref<128xi32, #tpu.memory_space<hbm>>
    tpu.wait_dma2 semaphore(%arg17 : memref<!tpu.dma_semaphore, #tpu.memory_space<semaphore_mem>>) src(%dma_wait3A_36 : memref<128xi32, #tpu.memory_space<hbm>>) dst(%arg9 : memref<128xi32, #tpu.memory_space<vmem>>)
    %dma_start3A_37 = arith.constant 0 : i32
    %dma_start3A_38 = arith.constant 0 : i32
    %dma_start3A_39 = tpu.memref_slice %arg2[%dma_start3A_37, %dma_start3A_38] : memref<10000x128xf32, #tpu.memory_space<hbm>> -> memref<10000x128xf32, #tpu.memory_space<hbm>>
    tpu.enqueue_indirect_dma source(%dma_start3A_39 : memref<10000x128xf32, #tpu.memory_space<hbm>>) target(%arg11 : memref<128x128xf32, #tpu.memory_space<vmem>>) offsets(%arg7 : memref<128xi32, #tpu.memory_space<vmem>>) semaphore(%arg15 : memref<!tpu.dma_semaphore, #tpu.memory_space<semaphore_mem>>)
    %add3A_40 = arith.constant 128 : i32
    %add3A_41 = arith.addi %mul3A_26, %add3A_40 : i32
    %dma_start3A_42 = tpu.memref_slice %arg4[%add3A_41] : memref<323584xi32, #tpu.memory_space<hbm>> -> memref<128xi32, #tpu.memory_space<hbm>>
    %dma_start3A_43 = tpu.memref_slice %arg4[%add3A_41] : memref<323584xi32, #tpu.memory_space<hbm>> -> memref<128xi32, #tpu.memory_space<hbm>>
    tpu.enqueue_dma source(%dma_start3A_43 : memref<128xi32, #tpu.memory_space<hbm>>) target(%arg8 : memref<128xi32, #tpu.memory_space<vmem>>) target_semaphore(%arg18 : memref<!tpu.dma_semaphore, #tpu.memory_space<semaphore_mem>>)
    %add3A_44 = arith.constant 128 : i32
    %add3A_45 = arith.addi %mul3A_26, %add3A_44 : i32
    %dma_start3A_46 = tpu.memref_slice %arg5[%add3A_45] : memref<323584xi32, #tpu.memory_space<hbm>> -> memref<128xi32, #tpu.memory_space<hbm>>
    %dma_start3A_47 = tpu.memref_slice %arg5[%add3A_45] : memref<323584xi32, #tpu.memory_space<hbm>> -> memref<128xi32, #tpu.memory_space<hbm>>
    tpu.enqueue_dma source(%dma_start3A_47 : memref<128xi32, #tpu.memory_space<hbm>>) target(%arg10 : memref<128xi32, #tpu.memory_space<vmem>>) target_semaphore(%arg18 : memref<!tpu.dma_semaphore, #tpu.memory_space<semaphore_mem>>)
    %dma_wait3A_48 = tpu.memref_slice %arg4[%add3A_41] : memref<323584xi32, #tpu.memory_space<hbm>> -> memref<128xi32, #tpu.memory_space<hbm>>
    %dma_wait3A_49 = tpu.memref_slice %arg4[%add3A_41] : memref<323584xi32, #tpu.memory_space<hbm>> -> memref<128xi32, #tpu.memory_space<hbm>>
    tpu.wait_dma2 semaphore(%arg18 : memref<!tpu.dma_semaphore, #tpu.memory_space<semaphore_mem>>) src(%dma_wait3A_49 : memref<128xi32, #tpu.memory_space<hbm>>) dst(%arg8 : memref<128xi32, #tpu.memory_space<vmem>>)
    %dma_wait3A_50 = tpu.memref_slice %arg5[%add3A_45] : memref<323584xi32, #tpu.memory_space<hbm>> -> memref<128xi32, #tpu.memory_space<hbm>>
    %dma_wait3A_51 = tpu.memref_slice %arg5[%add3A_45] : memref<323584xi32, #tpu.memory_space<hbm>> -> memref<128xi32, #tpu.memory_space<hbm>>
    tpu.wait_dma2 semaphore(%arg18 : memref<!tpu.dma_semaphore, #tpu.memory_space<semaphore_mem>>) src(%dma_wait3A_51 : memref<128xi32, #tpu.memory_space<hbm>>) dst(%arg10 : memref<128xi32, #tpu.memory_space<vmem>>)
    %dma_start3A_52 = arith.constant 0 : i32
    %dma_start3A_53 = arith.constant 0 : i32
    %dma_start3A_54 = tpu.memref_slice %arg2[%dma_start3A_52, %dma_start3A_53] : memref<10000x128xf32, #tpu.memory_space<hbm>> -> memref<10000x128xf32, #tpu.memory_space<hbm>>
    tpu.enqueue_indirect_dma source(%dma_start3A_54 : memref<10000x128xf32, #tpu.memory_space<hbm>>) target(%arg12 : memref<128x128xf32, #tpu.memory_space<vmem>>) offsets(%arg8 : memref<128xi32, #tpu.memory_space<vmem>>) semaphore(%arg16 : memref<!tpu.dma_semaphore, #tpu.memory_space<semaphore_mem>>)
    %add3A_55 = arith.constant 0 : i32
    %add3A_56 = arith.addi %mul3A_26, %add3A_55 : i32
    %dma_start3A_57 = arith.constant 0 : i32
    %dma_start3A_58 = tpu.memref_slice %arg3[%add3A_56, %dma_start3A_57] : memref<323584x128xf32, #tpu.memory_space<hbm>> -> memref<128x128xf32, #tpu.memory_space<hbm>>
    %dma_start3A_59 = arith.constant 0 : i32
    %dma_start3A_60 = tpu.memref_slice %arg3[%add3A_56, %dma_start3A_59] : memref<323584x128xf32, #tpu.memory_space<hbm>> -> memref<128x128xf32, #tpu.memory_space<hbm>>
    tpu.enqueue_dma source(%dma_start3A_60 : memref<128x128xf32, #tpu.memory_space<hbm>>) target(%arg13 : memref<128x128xf32, #tpu.memory_space<vmem>>) target_semaphore(%arg21 : memref<!tpu.dma_semaphore, #tpu.memory_space<semaphore_mem>>)
    %scan3A_61 = arith.constant 0 : i32
    %scan3A_62 = arith.constant 0 : i32
    %scan3A_63 = arith.constant 79 : i32
    %scan3A_64 = arith.addi %scan3A_62, %scan3A_63 : i32
    %scan3A_65 = arith.constant 1 : i32
    scf.for %scan3A_74 = %scan3A_62 to %scan3A_64 step %scan3A_65  : i32 {
      %mul3A_75 = arith.constant 2 : i32
      %mul3A_76 = arith.muli %scan3A_74, %mul3A_75 : i32
      %add3A_77 = arith.constant 0 : i32
      %add3A_78 = arith.addi %mul3A_76, %add3A_77 : i32
      %lt3A = arith.constant 158 : i32
      %lt3A_79 = arith.cmpi slt, %add3A_78, %lt3A : i32
      %convert_element_type3A = arith.extui %lt3A_79 : i1 to i32
      %cond3A = arith.constant 0 : i32
      %cond3A_80 = arith.cmpi ne, %convert_element_type3A, %cond3A : i32
      scf.if %cond3A_80 {
        %dma_wait3A_90 = arith.constant 0 : i32
        %dma_wait3A_91 = arith.constant 0 : i32
        %dma_wait3A_92 = tpu.memref_slice %arg2[%dma_wait3A_90, %dma_wait3A_91] : memref<10000x128xf32, #tpu.memory_space<hbm>> -> memref<10000x128xf32, #tpu.memory_space<hbm>>
        tpu.wait_indirect_dma semaphore(%arg15 : memref<!tpu.dma_semaphore, #tpu.memory_space<semaphore_mem>>) src(%dma_wait3A_92 : memref<10000x128xf32, #tpu.memory_space<hbm>>) dst(%arg11 : memref<128x128xf32, #tpu.memory_space<vmem>>)
        %mul3A_93 = arith.constant 128 : i32
        %mul3A_94 = arith.muli %add3A_78, %mul3A_93 : i32
        %add3A_95 = arith.addi %mul3A_26, %mul3A_94 : i32
        %dma_wait3A_96 = arith.constant 0 : i32
        %dma_wait3A_97 = tpu.memref_slice %arg3[%add3A_95, %dma_wait3A_96] : memref<323584x128xf32, #tpu.memory_space<hbm>> -> memref<128x128xf32, #tpu.memory_space<hbm>>
        %dma_wait3A_98 = arith.constant 0 : i32
        %dma_wait3A_99 = tpu.memref_slice %arg3[%add3A_95, %dma_wait3A_98] : memref<323584x128xf32, #tpu.memory_space<hbm>> -> memref<128x128xf32, #tpu.memory_space<hbm>>
        tpu.wait_dma2 semaphore(%arg21 : memref<!tpu.dma_semaphore, #tpu.memory_space<semaphore_mem>>) src(%dma_wait3A_99 : memref<128x128xf32, #tpu.memory_space<hbm>>) dst(%arg13 : memref<128x128xf32, #tpu.memory_space<vmem>>)
        %scan3A_100 = arith.constant 0 : i32
        %scan3A_101 = arith.constant 0 : i32
        %scan3A_102 = arith.constant 128 : i32
        %scan3A_103 = arith.addi %scan3A_101, %scan3A_102 : i32
        %scan3A_104 = arith.constant 1 : i32
        scf.for %scan3A_123 = %scan3A_101 to %scan3A_103 step %scan3A_104  : i32 {
          %get3A = arith.index_cast %scan3A_123 : i32 to index
          %get3A_124 = arith.constant 0 : index
          %get3A_125 = tpu.vector_load %arg11[%get3A, %get3A_124] {strides = array<i32>} : memref<128x128xf32, #tpu.memory_space<vmem>>, vector<16xf32>,
          %get3A_126 = arith.index_cast %scan3A_123 : i32 to index
          %get3A_127 = arith.constant 0 : index
          %get3A_128 = tpu.vector_load %arg13[%get3A_126, %get3A_127] {strides = array<i32>} : memref<128x128xf32, #tpu.memory_space<vmem>>, vector<16xf32>,
          %mul3A_129 = arith.mulf %get3A_125, %get3A_128 : vector<16xf32>
          %swap3A = arith.index_cast %scan3A_123 : i32 to index
          %swap3A_130 = arith.constant 0 : index
          %swap3A_131 = tpu.vector_load %arg11[%swap3A, %swap3A_130] {strides = array<i32>} : memref<128x128xf32, #tpu.memory_space<vmem>>, vector<16xf32>,
          tpu.vector_store %arg11[%swap3A, %swap3A_130], %mul3A_129 {strides = array<i32>} : memref<128x128xf32, #tpu.memory_space<vmem>>, vector<16xf32>,
          %get3A_132 = arith.index_cast %scan3A_123 : i32 to index
          %get3A_133 = arith.constant 16 : index
          %get3A_134 = tpu.vector_load %arg11[%get3A_132, %get3A_133] {strides = array<i32>} : memref<128x128xf32, #tpu.memory_space<vmem>>, vector<16xf32>,
          %get3A_135 = arith.index_cast %scan3A_123 : i32 to index
          %get3A_136 = arith.constant 16 : index
          %get3A_137 = tpu.vector_load %arg13[%get3A_135, %get3A_136] {strides = array<i32>} : memref<128x128xf32, #tpu.memory_space<vmem>>, vector<16xf32>,
          %mul3A_138 = arith.mulf %get3A_134, %get3A_137 : vector<16xf32>
          %swap3A_139 = arith.index_cast %scan3A_123 : i32 to index
          %swap3A_140 = arith.constant 16 : index
          %swap3A_141 = tpu.vector_load %arg11[%swap3A_139, %swap3A_140] {strides = array<i32>} : memref<128x128xf32, #tpu.memory_space<vmem>>, vector<16xf32>,
          tpu.vector_store %arg11[%swap3A_139, %swap3A_140], %mul3A_138 {strides = array<i32>} : memref<128x128xf32, #tpu.memory_space<vmem>>, vector<16xf32>,
          %get3A_142 = arith.index_cast %scan3A_123 : i32 to index
          %get3A_143 = arith.constant 32 : index
          %get3A_144 = tpu.vector_load %arg11[%get3A_142, %get3A_143] {strides = array<i32>} : memref<128x128xf32, #tpu.memory_space<vmem>>, vector<16xf32>,
          %get3A_145 = arith.index_cast %scan3A_123 : i32 to index
          %get3A_146 = arith.constant 32 : index
          %get3A_147 = tpu.vector_load %arg13[%get3A_145, %get3A_146] {strides = array<i32>} : memref<128x128xf32, #tpu.memory_space<vmem>>, vector<16xf32>,
          %mul3A_148 = arith.mulf %get3A_144, %get3A_147 : vector<16xf32>
          %swap3A_149 = arith.index_cast %scan3A_123 : i32 to index
          %swap3A_150 = arith.constant 32 : index
          %swap3A_151 = tpu.vector_load %arg11[%swap3A_149, %swap3A_150] {strides = array<i32>} : memref<128x128xf32, #tpu.memory_space<vmem>>, vector<16xf32>,
          tpu.vector_store %arg11[%swap3A_149, %swap3A_150], %mul3A_148 {strides = array<i32>} : memref<128x128xf32, #tpu.memory_space<vmem>>, vector<16xf32>,
          %get3A_152 = arith.index_cast %scan3A_123 : i32 to index
          %get3A_153 = arith.constant 48 : index
          %get3A_154 = tpu.vector_load %arg11[%get3A_152, %get3A_153] {strides = array<i32>} : memref<128x128xf32, #tpu.memory_space<vmem>>, vector<16xf32>,
          %get3A_155 = arith.index_cast %scan3A_123 : i32 to index
          %get3A_156 = arith.constant 48 : index
          %get3A_157 = tpu.vector_load %arg13[%get3A_155, %get3A_156] {strides = array<i32>} : memref<128x128xf32, #tpu.memory_space<vmem>>, vector<16xf32>,
          %mul3A_158 = arith.mulf %get3A_154, %get3A_157 : vector<16xf32>
          %swap3A_159 = arith.index_cast %scan3A_123 : i32 to index
          %swap3A_160 = arith.constant 48 : index
          %swap3A_161 = tpu.vector_load %arg11[%swap3A_159, %swap3A_160] {strides = array<i32>} : memref<128x128xf32, #tpu.memory_space<vmem>>, vector<16xf32>,
          tpu.vector_store %arg11[%swap3A_159, %swap3A_160], %mul3A_158 {strides = array<i32>} : memref<128x128xf32, #tpu.memory_space<vmem>>, vector<16xf32>,
          %get3A_162 = arith.index_cast %scan3A_123 : i32 to index
          %get3A_163 = arith.constant 64 : index
          %get3A_164 = tpu.vector_load %arg11[%get3A_162, %get3A_163] {strides = array<i32>} : memref<128x128xf32, #tpu.memory_space<vmem>>, vector<16xf32>,
          %get3A_165 = arith.index_cast %scan3A_123 : i32 to index
          %get3A_166 = arith.constant 64 : index
          %get3A_167 = tpu.vector_load %arg13[%get3A_165, %get3A_166] {strides = array<i32>} : memref<128x128xf32, #tpu.memory_space<vmem>>, vector<16xf32>,
          %mul3A_168 = arith.mulf %get3A_164, %get3A_167 : vector<16xf32>
          %swap3A_169 = arith.index_cast %scan3A_123 : i32 to index
          %swap3A_170 = arith.constant 64 : index
          %swap3A_171 = tpu.vector_load %arg11[%swap3A_169, %swap3A_170] {strides = array<i32>} : memref<128x128xf32, #tpu.memory_space<vmem>>, vector<16xf32>,
          tpu.vector_store %arg11[%swap3A_169, %swap3A_170], %mul3A_168 {strides = array<i32>} : memref<128x128xf32, #tpu.memory_space<vmem>>, vector<16xf32>,
          %get3A_172 = arith.index_cast %scan3A_123 : i32 to index
          %get3A_173 = arith.constant 80 : index
          %get3A_174 = tpu.vector_load %arg11[%get3A_172, %get3A_173] {strides = array<i32>} : memref<128x128xf32, #tpu.memory_space<vmem>>, vector<16xf32>,
          %get3A_175 = arith.index_cast %scan3A_123 : i32 to index
          %get3A_176 = arith.constant 80 : index
          %get3A_177 = tpu.vector_load %arg13[%get3A_175, %get3A_176] {strides = array<i32>} : memref<128x128xf32, #tpu.memory_space<vmem>>, vector<16xf32>,
          %mul3A_178 = arith.mulf %get3A_174, %get3A_177 : vector<16xf32>
          %swap3A_179 = arith.index_cast %scan3A_123 : i32 to index
          %swap3A_180 = arith.constant 80 : index
          %swap3A_181 = tpu.vector_load %arg11[%swap3A_179, %swap3A_180] {strides = array<i32>} : memref<128x128xf32, #tpu.memory_space<vmem>>, vector<16xf32>,
          tpu.vector_store %arg11[%swap3A_179, %swap3A_180], %mul3A_178 {strides = array<i32>} : memref<128x128xf32, #tpu.memory_space<vmem>>, vector<16xf32>,
          %get3A_182 = arith.index_cast %scan3A_123 : i32 to index
          %get3A_183 = arith.constant 96 : index
          %get3A_184 = tpu.vector_load %arg11[%get3A_182, %get3A_183] {strides = array<i32>} : memref<128x128xf32, #tpu.memory_space<vmem>>, vector<16xf32>,
          %get3A_185 = arith.index_cast %scan3A_123 : i32 to index
          %get3A_186 = arith.constant 96 : index
          %get3A_187 = tpu.vector_load %arg13[%get3A_185, %get3A_186] {strides = array<i32>} : memref<128x128xf32, #tpu.memory_space<vmem>>, vector<16xf32>,
          %mul3A_188 = arith.mulf %get3A_184, %get3A_187 : vector<16xf32>
          %swap3A_189 = arith.index_cast %scan3A_123 : i32 to index
          %swap3A_190 = arith.constant 96 : index
          %swap3A_191 = tpu.vector_load %arg11[%swap3A_189, %swap3A_190] {strides = array<i32>} : memref<128x128xf32, #tpu.memory_space<vmem>>, vector<16xf32>,
          tpu.vector_store %arg11[%swap3A_189, %swap3A_190], %mul3A_188 {strides = array<i32>} : memref<128x128xf32, #tpu.memory_space<vmem>>, vector<16xf32>,
          %get3A_192 = arith.index_cast %scan3A_123 : i32 to index
          %get3A_193 = arith.constant 112 : index
          %get3A_194 = tpu.vector_load %arg11[%get3A_192, %get3A_193] {strides = array<i32>} : memref<128x128xf32, #tpu.memory_space<vmem>>, vector<16xf32>,
          %get3A_195 = arith.index_cast %scan3A_123 : i32 to index
          %get3A_196 = arith.constant 112 : index
          %get3A_197 = tpu.vector_load %arg13[%get3A_195, %get3A_196] {strides = array<i32>} : memref<128x128xf32, #tpu.memory_space<vmem>>, vector<16xf32>,
          %mul3A_198 = arith.mulf %get3A_194, %get3A_197 : vector<16xf32>
          %swap3A_199 = arith.index_cast %scan3A_123 : i32 to index
          %swap3A_200 = arith.constant 112 : index
          %swap3A_201 = tpu.vector_load %arg11[%swap3A_199, %swap3A_200] {strides = array<i32>} : memref<128x128xf32, #tpu.memory_space<vmem>>, vector<16xf32>,
          tpu.vector_store %arg11[%swap3A_199, %swap3A_200], %mul3A_198 {strides = array<i32>} : memref<128x128xf32, #tpu.memory_space<vmem>>, vector<16xf32>,
        }
        %scan3A_105 = arith.constant 128 : i32
        %add3A_106 = arith.constant 1 : i32
        %add3A_107 = arith.addi %add3A_78, %add3A_106 : i32
        %lt3A_108 = arith.constant 158 : i32
        %lt3A_109 = arith.cmpi slt, %add3A_107, %lt3A_108 : i32
        %convert_element_type3A_110 = arith.extui %lt3A_109 : i1 to i32
        %cond3A_111 = arith.constant 0 : i32
        %cond3A_112 = arith.cmpi ne, %convert_element_type3A_110, %cond3A_111 : i32
        scf.if %cond3A_112 {
          %add3A_123 = arith.constant 1 : i32
          %add3A_124 = arith.addi %add3A_78, %add3A_123 : i32
          %mul3A_125 = arith.constant 128 : i32
          %mul3A_126 = arith.muli %add3A_124, %mul3A_125 : i32
          %add3A_127 = arith.addi %mul3A_26, %mul3A_126 : i32
          %dma_start3A_128 = arith.constant 0 : i32
          %dma_start3A_129 = tpu.memref_slice %arg3[%add3A_127, %dma_start3A_128] : memref<323584x128xf32, #tpu.memory_space<hbm>> -> memref<128x128xf32, #tpu.memory_space<hbm>>
          %dma_start3A_130 = arith.constant 0 : i32
          %dma_start3A_131 = tpu.memref_slice %arg3[%add3A_127, %dma_start3A_130] : memref<323584x128xf32, #tpu.memory_space<hbm>> -> memref<128x128xf32, #tpu.memory_space<hbm>>
          tpu.enqueue_dma source(%dma_start3A_131 : memref<128x128xf32, #tpu.memory_space<hbm>>) target(%arg13 : memref<128x128xf32, #tpu.memory_space<vmem>>) target_semaphore(%arg21 : memref<!tpu.dma_semaphore, #tpu.memory_space<semaphore_mem>>)
        } else {
        }
        %dma_start3A_113 = arith.constant 0 : i32
        %dma_start3A_114 = arith.constant 0 : i32
        %dma_start3A_115 = tpu.memref_slice %arg14[%dma_start3A_113, %dma_start3A_114] : memref<10112x128xf32, #tpu.memory_space<vmem_shared>> -> memref<10112x128xf32, #tpu.memory_space<vmem_shared>>
        tpu.enqueue_indirect_dma source(%arg11 : memref<128x128xf32, #tpu.memory_space<vmem>>) target(%dma_start3A_115 : memref<10112x128xf32, #tpu.memory_space<vmem_shared>>) offsets(%arg9 : memref<128xi32, #tpu.memory_space<vmem>>) semaphore(%arg19 : memref<!tpu.dma_semaphore, #tpu.memory_space<semaphore_mem>>) {add = true}
        %add3A_116 = arith.constant 2 : i32
        %add3A_117 = arith.addi %add3A_78, %add3A_116 : i32
        %lt3A_118 = arith.constant 158 : i32
        %lt3A_119 = arith.cmpi slt, %add3A_117, %lt3A_118 : i32
        %convert_element_type3A_120 = arith.extui %lt3A_119 : i1 to i32
        %cond3A_121 = arith.constant 0 : i32
        %cond3A_122 = arith.cmpi ne, %convert_element_type3A_120, %cond3A_121 : i32
        scf.if %cond3A_122 {
          %dma_wait3A_123 = arith.constant 0 : i32
          %dma_wait3A_124 = arith.constant 0 : i32
          %dma_wait3A_125 = tpu.memref_slice %arg14[%dma_wait3A_123, %dma_wait3A_124] : memref<10112x128xf32, #tpu.memory_space<vmem_shared>> -> memref<10112x128xf32, #tpu.memory_space<vmem_shared>>
          tpu.wait_indirect_dma semaphore(%arg19 : memref<!tpu.dma_semaphore, #tpu.memory_space<semaphore_mem>>) src(%arg11 : memref<128x128xf32, #tpu.memory_space<vmem>>) dst(%dma_wait3A_125 : memref<10112x128xf32, #tpu.memory_space<vmem_shared>>)
          %add3A_126 = arith.constant 2 : i32
          %add3A_127 = arith.addi %add3A_78, %add3A_126 : i32
          %mul3A_128 = arith.constant 128 : i32
          %mul3A_129 = arith.muli %add3A_127, %mul3A_128 : i32
          %add3A_130 = arith.addi %mul3A_26, %mul3A_129 : i32
          %dma_start3A_131 = tpu.memref_slice %arg4[%add3A_130] : memref<323584xi32, #tpu.memory_space<hbm>> -> memref<128xi32, #tpu.memory_space<hbm>>
          %dma_start3A_132 = tpu.memref_slice %arg4[%add3A_130] : memref<323584xi32, #tpu.memory_space<hbm>> -> memref<128xi32, #tpu.memory_space<hbm>>
          tpu.enqueue_dma source(%dma_start3A_132 : memref<128xi32, #tpu.memory_space<hbm>>) target(%arg7 : memref<128xi32, #tpu.memory_space<vmem>>) target_semaphore(%arg17 : memref<!tpu.dma_semaphore, #tpu.memory_space<semaphore_mem>>)
          %mul3A_133 = arith.constant 128 : i32
          %mul3A_134 = arith.muli %add3A_127, %mul3A_133 : i32
          %add3A_135 = arith.addi %mul3A_26, %mul3A_134 : i32
          %dma_start3A_136 = tpu.memref_slice %arg5[%add3A_135] : memref<323584xi32, #tpu.memory_space<hbm>> -> memref<128xi32, #tpu.memory_space<hbm>>
          %dma_start3A_137 = tpu.memref_slice %arg5[%add3A_135] : memref<323584xi32, #tpu.memory_space<hbm>> -> memref<128xi32, #tpu.memory_space<hbm>>
          tpu.enqueue_dma source(%dma_start3A_137 : memref<128xi32, #tpu.memory_space<hbm>>) target(%arg9 : memref<128xi32, #tpu.memory_space<vmem>>) target_semaphore(%arg17 : memref<!tpu.dma_semaphore, #tpu.memory_space<semaphore_mem>>)
          %dma_wait3A_138 = tpu.memref_slice %arg4[%add3A_130] : memref<323584xi32, #tpu.memory_space<hbm>> -> memref<128xi32, #tpu.memory_space<hbm>>
          %dma_wait3A_139 = tpu.memref_slice %arg4[%add3A_130] : memref<323584xi32, #tpu.memory_space<hbm>> -> memref<128xi32, #tpu.memory_space<hbm>>
          tpu.wait_dma2 semaphore(%arg17 : memref<!tpu.dma_semaphore, #tpu.memory_space<semaphore_mem>>) src(%dma_wait3A_139 : memref<128xi32, #tpu.memory_space<hbm>>) dst(%arg7 : memref<128xi32, #tpu.memory_space<vmem>>)
          %dma_wait3A_140 = tpu.memref_slice %arg5[%add3A_135] : memref<323584xi32, #tpu.memory_space<hbm>> -> memref<128xi32, #tpu.memory_space<hbm>>
          %dma_wait3A_141 = tpu.memref_slice %arg5[%add3A_135] : memref<323584xi32, #tpu.memory_space<hbm>> -> memref<128xi32, #tpu.memory_space<hbm>>
          tpu.wait_dma2 semaphore(%arg17 : memref<!tpu.dma_semaphore, #tpu.memory_space<semaphore_mem>>) src(%dma_wait3A_141 : memref<128xi32, #tpu.memory_space<hbm>>) dst(%arg9 : memref<128xi32, #tpu.memory_space<vmem>>)
          %dma_start3A_142 = arith.constant 0 : i32
          %dma_start3A_143 = arith.constant 0 : i32
          %dma_start3A_144 = tpu.memref_slice %arg2[%dma_start3A_142, %dma_start3A_143] : memref<10000x128xf32, #tpu.memory_space<hbm>> -> memref<10000x128xf32, #tpu.memory_space<hbm>>
          tpu.enqueue_indirect_dma source(%dma_start3A_144 : memref<10000x128xf32, #tpu.memory_space<hbm>>) target(%arg11 : memref<128x128xf32, #tpu.memory_space<vmem>>) offsets(%arg7 : memref<128xi32, #tpu.memory_space<vmem>>) semaphore(%arg15 : memref<!tpu.dma_semaphore, #tpu.memory_space<semaphore_mem>>)
        } else {
        }
      } else {
      }
      %mul3A_81 = arith.constant 2 : i32
      %mul3A_82 = arith.muli %scan3A_74, %mul3A_81 : i32
      %add3A_83 = arith.constant 1 : i32
      %add3A_84 = arith.addi %mul3A_82, %add3A_83 : i32
      %lt3A_85 = arith.constant 158 : i32
      %lt3A_86 = arith.cmpi slt, %add3A_84, %lt3A_85 : i32
      %convert_element_type3A_87 = arith.extui %lt3A_86 : i1 to i32
      %cond3A_88 = arith.constant 0 : i32
      %cond3A_89 = arith.cmpi ne, %convert_element_type3A_87, %cond3A_88 : i32
      scf.if %cond3A_89 {
        %dma_wait3A_90 = arith.constant 0 : i32
        %dma_wait3A_91 = arith.constant 0 : i32
        %dma_wait3A_92 = tpu.memref_slice %arg2[%dma_wait3A_90, %dma_wait3A_91] : memref<10000x128xf32, #tpu.memory_space<hbm>> -> memref<10000x128xf32, #tpu.memory_space<hbm>>
        tpu.wait_indirect_dma semaphore(%arg16 : memref<!tpu.dma_semaphore, #tpu.memory_space<semaphore_mem>>) src(%dma_wait3A_92 : memref<10000x128xf32, #tpu.memory_space<hbm>>) dst(%arg12 : memref<128x128xf32, #tpu.memory_space<vmem>>)
        %mul3A_93 = arith.constant 128 : i32
        %mul3A_94 = arith.muli %add3A_84, %mul3A_93 : i32
        %add3A_95 = arith.addi %mul3A_26, %mul3A_94 : i32
        %dma_wait3A_96 = arith.constant 0 : i32
        %dma_wait3A_97 = tpu.memref_slice %arg3[%add3A_95, %dma_wait3A_96] : memref<323584x128xf32, #tpu.memory_space<hbm>> -> memref<128x128xf32, #tpu.memory_space<hbm>>
        %dma_wait3A_98 = arith.constant 0 : i32
        %dma_wait3A_99 = tpu.memref_slice %arg3[%add3A_95, %dma_wait3A_98] : memref<323584x128xf32, #tpu.memory_space<hbm>> -> memref<128x128xf32, #tpu.memory_space<hbm>>
        tpu.wait_dma2 semaphore(%arg21 : memref<!tpu.dma_semaphore, #tpu.memory_space<semaphore_mem>>) src(%dma_wait3A_99 : memref<128x128xf32, #tpu.memory_space<hbm>>) dst(%arg13 : memref<128x128xf32, #tpu.memory_space<vmem>>)
        %scan3A_100 = arith.constant 0 : i32
        %scan3A_101 = arith.constant 0 : i32
        %scan3A_102 = arith.constant 128 : i32
        %scan3A_103 = arith.addi %scan3A_101, %scan3A_102 : i32
        %scan3A_104 = arith.constant 1 : i32
        scf.for %scan3A_123 = %scan3A_101 to %scan3A_103 step %scan3A_104  : i32 {
          %get3A = arith.index_cast %scan3A_123 : i32 to index
          %get3A_124 = arith.constant 0 : index
          %get3A_125 = tpu.vector_load %arg12[%get3A, %get3A_124] {strides = array<i32>} : memref<128x128xf32, #tpu.memory_space<vmem>>, vector<16xf32>,
          %get3A_126 = arith.index_cast %scan3A_123 : i32 to index
          %get3A_127 = arith.constant 0 : index
          %get3A_128 = tpu.vector_load %arg13[%get3A_126, %get3A_127] {strides = array<i32>} : memref<128x128xf32, #tpu.memory_space<vmem>>, vector<16xf32>,
          %mul3A_129 = arith.mulf %get3A_125, %get3A_128 : vector<16xf32>
          %swap3A = arith.index_cast %scan3A_123 : i32 to index
          %swap3A_130 = arith.constant 0 : index
          %swap3A_131 = tpu.vector_load %arg12[%swap3A, %swap3A_130] {strides = array<i32>} : memref<128x128xf32, #tpu.memory_space<vmem>>, vector<16xf32>,
          tpu.vector_store %arg12[%swap3A, %swap3A_130], %mul3A_129 {strides = array<i32>} : memref<128x128xf32, #tpu.memory_space<vmem>>, vector<16xf32>,
          %get3A_132 = arith.index_cast %scan3A_123 : i32 to index
          %get3A_133 = arith.constant 16 : index
          %get3A_134 = tpu.vector_load %arg12[%get3A_132, %get3A_133] {strides = array<i32>} : memref<128x128xf32, #tpu.memory_space<vmem>>, vector<16xf32>,
          %get3A_135 = arith.index_cast %scan3A_123 : i32 to index
          %get3A_136 = arith.constant 16 : index
          %get3A_137 = tpu.vector_load %arg13[%get3A_135, %get3A_136] {strides = array<i32>} : memref<128x128xf32, #tpu.memory_space<vmem>>, vector<16xf32>,
          %mul3A_138 = arith.mulf %get3A_134, %get3A_137 : vector<16xf32>
          %swap3A_139 = arith.index_cast %scan3A_123 : i32 to index
          %swap3A_140 = arith.constant 16 : index
          %swap3A_141 = tpu.vector_load %arg12[%swap3A_139, %swap3A_140] {strides = array<i32>} : memref<128x128xf32, #tpu.memory_space<vmem>>, vector<16xf32>,
          tpu.vector_store %arg12[%swap3A_139, %swap3A_140], %mul3A_138 {strides = array<i32>} : memref<128x128xf32, #tpu.memory_space<vmem>>, vector<16xf32>,
          %get3A_142 = arith.index_cast %scan3A_123 : i32 to index
          %get3A_143 = arith.constant 32 : index
          %get3A_144 = tpu.vector_load %arg12[%get3A_142, %get3A_143] {strides = array<i32>} : memref<128x128xf32, #tpu.memory_space<vmem>>, vector<16xf32>,
          %get3A_145 = arith.index_cast %scan3A_123 : i32 to index
          %get3A_146 = arith.constant 32 : index
          %get3A_147 = tpu.vector_load %arg13[%get3A_145, %get3A_146] {strides = array<i32>} : memref<128x128xf32, #tpu.memory_space<vmem>>, vector<16xf32>,
          %mul3A_148 = arith.mulf %get3A_144, %get3A_147 : vector<16xf32>
          %swap3A_149 = arith.index_cast %scan3A_123 : i32 to index
          %swap3A_150 = arith.constant 32 : index
          %swap3A_151 = tpu.vector_load %arg12[%swap3A_149, %swap3A_150] {strides = array<i32>} : memref<128x128xf32, #tpu.memory_space<vmem>>, vector<16xf32>,
          tpu.vector_store %arg12[%swap3A_149, %swap3A_150], %mul3A_148 {strides = array<i32>} : memref<128x128xf32, #tpu.memory_space<vmem>>, vector<16xf32>,
          %get3A_152 = arith.index_cast %scan3A_123 : i32 to index
          %get3A_153 = arith.constant 48 : index
          %get3A_154 = tpu.vector_load %arg12[%get3A_152, %get3A_153] {strides = array<i32>} : memref<128x128xf32, #tpu.memory_space<vmem>>, vector<16xf32>,
          %get3A_155 = arith.index_cast %scan3A_123 : i32 to index
          %get3A_156 = arith.constant 48 : index
          %get3A_157 = tpu.vector_load %arg13[%get3A_155, %get3A_156] {strides = array<i32>} : memref<128x128xf32, #tpu.memory_space<vmem>>, vector<16xf32>,
          %mul3A_158 = arith.mulf %get3A_154, %get3A_157 : vector<16xf32>
          %swap3A_159 = arith.index_cast %scan3A_123 : i32 to index
          %swap3A_160 = arith.constant 48 : index
          %swap3A_161 = tpu.vector_load %arg12[%swap3A_159, %swap3A_160] {strides = array<i32>} : memref<128x128xf32, #tpu.memory_space<vmem>>, vector<16xf32>,
          tpu.vector_store %arg12[%swap3A_159, %swap3A_160], %mul3A_158 {strides = array<i32>} : memref<128x128xf32, #tpu.memory_space<vmem>>, vector<16xf32>,
          %get3A_162 = arith.index_cast %scan3A_123 : i32 to index
          %get3A_163 = arith.constant 64 : index
          %get3A_164 = tpu.vector_load %arg12[%get3A_162, %get3A_163] {strides = array<i32>} : memref<128x128xf32, #tpu.memory_space<vmem>>, vector<16xf32>,
          %get3A_165 = arith.index_cast %scan3A_123 : i32 to index
          %get3A_166 = arith.constant 64 : index
          %get3A_167 = tpu.vector_load %arg13[%get3A_165, %get3A_166] {strides = array<i32>} : memref<128x128xf32, #tpu.memory_space<vmem>>, vector<16xf32>,
          %mul3A_168 = arith.mulf %get3A_164, %get3A_167 : vector<16xf32>
          %swap3A_169 = arith.index_cast %scan3A_123 : i32 to index
          %swap3A_170 = arith.constant 64 : index
          %swap3A_171 = tpu.vector_load %arg12[%swap3A_169, %swap3A_170] {strides = array<i32>} : memref<128x128xf32, #tpu.memory_space<vmem>>, vector<16xf32>,
          tpu.vector_store %arg12[%swap3A_169, %swap3A_170], %mul3A_168 {strides = array<i32>} : memref<128x128xf32, #tpu.memory_space<vmem>>, vector<16xf32>,
          %get3A_172 = arith.index_cast %scan3A_123 : i32 to index
          %get3A_173 = arith.constant 80 : index
          %get3A_174 = tpu.vector_load %arg12[%get3A_172, %get3A_173] {strides = array<i32>} : memref<128x128xf32, #tpu.memory_space<vmem>>, vector<16xf32>,
          %get3A_175 = arith.index_cast %scan3A_123 : i32 to index
          %get3A_176 = arith.constant 80 : index
          %get3A_177 = tpu.vector_load %arg13[%get3A_175, %get3A_176] {strides = array<i32>} : memref<128x128xf32, #tpu.memory_space<vmem>>, vector<16xf32>,
          %mul3A_178 = arith.mulf %get3A_174, %get3A_177 : vector<16xf32>
          %swap3A_179 = arith.index_cast %scan3A_123 : i32 to index
          %swap3A_180 = arith.constant 80 : index
          %swap3A_181 = tpu.vector_load %arg12[%swap3A_179, %swap3A_180] {strides = array<i32>} : memref<128x128xf32, #tpu.memory_space<vmem>>, vector<16xf32>,
          tpu.vector_store %arg12[%swap3A_179, %swap3A_180], %mul3A_178 {strides = array<i32>} : memref<128x128xf32, #tpu.memory_space<vmem>>, vector<16xf32>,
          %get3A_182 = arith.index_cast %scan3A_123 : i32 to index
          %get3A_183 = arith.constant 96 : index
          %get3A_184 = tpu.vector_load %arg12[%get3A_182, %get3A_183] {strides = array<i32>} : memref<128x128xf32, #tpu.memory_space<vmem>>, vector<16xf32>,
          %get3A_185 = arith.index_cast %scan3A_123 : i32 to index
          %get3A_186 = arith.constant 96 : index
          %get3A_187 = tpu.vector_load %arg13[%get3A_185, %get3A_186] {strides = array<i32>} : memref<128x128xf32, #tpu.memory_space<vmem>>, vector<16xf32>,
          %mul3A_188 = arith.mulf %get3A_184, %get3A_187 : vector<16xf32>
          %swap3A_189 = arith.index_cast %scan3A_123 : i32 to index
          %swap3A_190 = arith.constant 96 : index
          %swap3A_191 = tpu.vector_load %arg12[%swap3A_189, %swap3A_190] {strides = array<i32>} : memref<128x128xf32, #tpu.memory_space<vmem>>, vector<16xf32>,
          tpu.vector_store %arg12[%swap3A_189, %swap3A_190], %mul3A_188 {strides = array<i32>} : memref<128x128xf32, #tpu.memory_space<vmem>>, vector<16xf32>,
          %get3A_192 = arith.index_cast %scan3A_123 : i32 to index
          %get3A_193 = arith.constant 112 : index
          %get3A_194 = tpu.vector_load %arg12[%get3A_192, %get3A_193] {strides = array<i32>} : memref<128x128xf32, #tpu.memory_space<vmem>>, vector<16xf32>,
          %get3A_195 = arith.index_cast %scan3A_123 : i32 to index
          %get3A_196 = arith.constant 112 : index
          %get3A_197 = tpu.vector_load %arg13[%get3A_195, %get3A_196] {strides = array<i32>} : memref<128x128xf32, #tpu.memory_space<vmem>>, vector<16xf32>,
          %mul3A_198 = arith.mulf %get3A_194, %get3A_197 : vector<16xf32>
          %swap3A_199 = arith.index_cast %scan3A_123 : i32 to index
          %swap3A_200 = arith.constant 112 : index
          %swap3A_201 = tpu.vector_load %arg12[%swap3A_199, %swap3A_200] {strides = array<i32>} : memref<128x128xf32, #tpu.memory_space<vmem>>, vector<16xf32>,
          tpu.vector_store %arg12[%swap3A_199, %swap3A_200], %mul3A_198 {strides = array<i32>} : memref<128x128xf32, #tpu.memory_space<vmem>>, vector<16xf32>,
        }
        %scan3A_105 = arith.constant 128 : i32
        %add3A_106 = arith.constant 1 : i32
        %add3A_107 = arith.addi %add3A_84, %add3A_106 : i32
        %lt3A_108 = arith.constant 158 : i32
        %lt3A_109 = arith.cmpi slt, %add3A_107, %lt3A_108 : i32
        %convert_element_type3A_110 = arith.extui %lt3A_109 : i1 to i32
        %cond3A_111 = arith.constant 0 : i32
        %cond3A_112 = arith.cmpi ne, %convert_element_type3A_110, %cond3A_111 : i32
        scf.if %cond3A_112 {
          %add3A_123 = arith.constant 1 : i32
          %add3A_124 = arith.addi %add3A_84, %add3A_123 : i32
          %mul3A_125 = arith.constant 128 : i32
          %mul3A_126 = arith.muli %add3A_124, %mul3A_125 : i32
          %add3A_127 = arith.addi %mul3A_26, %mul3A_126 : i32
          %dma_start3A_128 = arith.constant 0 : i32
          %dma_start3A_129 = tpu.memref_slice %arg3[%add3A_127, %dma_start3A_128] : memref<323584x128xf32, #tpu.memory_space<hbm>> -> memref<128x128xf32, #tpu.memory_space<hbm>>
          %dma_start3A_130 = arith.constant 0 : i32
          %dma_start3A_131 = tpu.memref_slice %arg3[%add3A_127, %dma_start3A_130] : memref<323584x128xf32, #tpu.memory_space<hbm>> -> memref<128x128xf32, #tpu.memory_space<hbm>>
          tpu.enqueue_dma source(%dma_start3A_131 : memref<128x128xf32, #tpu.memory_space<hbm>>) target(%arg13 : memref<128x128xf32, #tpu.memory_space<vmem>>) target_semaphore(%arg21 : memref<!tpu.dma_semaphore, #tpu.memory_space<semaphore_mem>>)
        } else {
        }
        %dma_start3A_113 = arith.constant 0 : i32
        %dma_start3A_114 = arith.constant 0 : i32
        %dma_start3A_115 = tpu.memref_slice %arg14[%dma_start3A_113, %dma_start3A_114] : memref<10112x128xf32, #tpu.memory_space<vmem_shared>> -> memref<10112x128xf32, #tpu.memory_space<vmem_shared>>
        tpu.enqueue_indirect_dma source(%arg12 : memref<128x128xf32, #tpu.memory_space<vmem>>) target(%dma_start3A_115 : memref<10112x128xf32, #tpu.memory_space<vmem_shared>>) offsets(%arg10 : memref<128xi32, #tpu.memory_space<vmem>>) semaphore(%arg20 : memref<!tpu.dma_semaphore, #tpu.memory_space<semaphore_mem>>) {add = true}
        %add3A_116 = arith.constant 2 : i32
        %add3A_117 = arith.addi %add3A_84, %add3A_116 : i32
        %lt3A_118 = arith.constant 158 : i32
        %lt3A_119 = arith.cmpi slt, %add3A_117, %lt3A_118 : i32
        %convert_element_type3A_120 = arith.extui %lt3A_119 : i1 to i32
        %cond3A_121 = arith.constant 0 : i32
        %cond3A_122 = arith.cmpi ne, %convert_element_type3A_120, %cond3A_121 : i32
        scf.if %cond3A_122 {
          %dma_wait3A_123 = arith.constant 0 : i32
          %dma_wait3A_124 = arith.constant 0 : i32
          %dma_wait3A_125 = tpu.memref_slice %arg14[%dma_wait3A_123, %dma_wait3A_124] : memref<10112x128xf32, #tpu.memory_space<vmem_shared>> -> memref<10112x128xf32, #tpu.memory_space<vmem_shared>>
          tpu.wait_indirect_dma semaphore(%arg20 : memref<!tpu.dma_semaphore, #tpu.memory_space<semaphore_mem>>) src(%arg12 : memref<128x128xf32, #tpu.memory_space<vmem>>) dst(%dma_wait3A_125 : memref<10112x128xf32, #tpu.memory_space<vmem_shared>>)
          %add3A_126 = arith.constant 2 : i32
          %add3A_127 = arith.addi %add3A_84, %add3A_126 : i32
          %mul3A_128 = arith.constant 128 : i32
          %mul3A_129 = arith.muli %add3A_127, %mul3A_128 : i32
          %add3A_130 = arith.addi %mul3A_26, %mul3A_129 : i32
          %dma_start3A_131 = tpu.memref_slice %arg4[%add3A_130] : memref<323584xi32, #tpu.memory_space<hbm>> -> memref<128xi32, #tpu.memory_space<hbm>>
          %dma_start3A_132 = tpu.memref_slice %arg4[%add3A_130] : memref<323584xi32, #tpu.memory_space<hbm>> -> memref<128xi32, #tpu.memory_space<hbm>>
          tpu.enqueue_dma source(%dma_start3A_132 : memref<128xi32, #tpu.memory_space<hbm>>) target(%arg8 : memref<128xi32, #tpu.memory_space<vmem>>) target_semaphore(%arg18 : memref<!tpu.dma_semaphore, #tpu.memory_space<semaphore_mem>>)
          %mul3A_133 = arith.constant 128 : i32
          %mul3A_134 = arith.muli %add3A_127, %mul3A_133 : i32
          %add3A_135 = arith.addi %mul3A_26, %mul3A_134 : i32
          %dma_start3A_136 = tpu.memref_slice %arg5[%add3A_135] : memref<323584xi32, #tpu.memory_space<hbm>> -> memref<128xi32, #tpu.memory_space<hbm>>
          %dma_start3A_137 = tpu.memref_slice %arg5[%add3A_135] : memref<323584xi32, #tpu.memory_space<hbm>> -> memref<128xi32, #tpu.memory_space<hbm>>
          tpu.enqueue_dma source(%dma_start3A_137 : memref<128xi32, #tpu.memory_space<hbm>>) target(%arg10 : memref<128xi32, #tpu.memory_space<vmem>>) target_semaphore(%arg18 : memref<!tpu.dma_semaphore, #tpu.memory_space<semaphore_mem>>)
          %dma_wait3A_138 = tpu.memref_slice %arg4[%add3A_130] : memref<323584xi32, #tpu.memory_space<hbm>> -> memref<128xi32, #tpu.memory_space<hbm>>
          %dma_wait3A_139 = tpu.memref_slice %arg4[%add3A_130] : memref<323584xi32, #tpu.memory_space<hbm>> -> memref<128xi32, #tpu.memory_space<hbm>>
          tpu.wait_dma2 semaphore(%arg18 : memref<!tpu.dma_semaphore, #tpu.memory_space<semaphore_mem>>) src(%dma_wait3A_139 : memref<128xi32, #tpu.memory_space<hbm>>) dst(%arg8 : memref<128xi32, #tpu.memory_space<vmem>>)
          %dma_wait3A_140 = tpu.memref_slice %arg5[%add3A_135] : memref<323584xi32, #tpu.memory_space<hbm>> -> memref<128xi32, #tpu.memory_space<hbm>>
          %dma_wait3A_141 = tpu.memref_slice %arg5[%add3A_135] : memref<323584xi32, #tpu.memory_space<hbm>> -> memref<128xi32, #tpu.memory_space<hbm>>
          tpu.wait_dma2 semaphore(%arg18 : memref<!tpu.dma_semaphore, #tpu.memory_space<semaphore_mem>>) src(%dma_wait3A_141 : memref<128xi32, #tpu.memory_space<hbm>>) dst(%arg10 : memref<128xi32, #tpu.memory_space<vmem>>)
          %dma_start3A_142 = arith.constant 0 : i32
          %dma_start3A_143 = arith.constant 0 : i32
          %dma_start3A_144 = tpu.memref_slice %arg2[%dma_start3A_142, %dma_start3A_143] : memref<10000x128xf32, #tpu.memory_space<hbm>> -> memref<10000x128xf32, #tpu.memory_space<hbm>>
          tpu.enqueue_indirect_dma source(%dma_start3A_144 : memref<10000x128xf32, #tpu.memory_space<hbm>>) target(%arg12 : memref<128x128xf32, #tpu.memory_space<vmem>>) offsets(%arg8 : memref<128xi32, #tpu.memory_space<vmem>>) semaphore(%arg16 : memref<!tpu.dma_semaphore, #tpu.memory_space<semaphore_mem>>)
        } else {
        }
      } else {
      }
    }
    %scan3A_66 = arith.constant 79 : i32
    %dma_wait3A_67 = arith.constant 0 : i32
    %dma_wait3A_68 = arith.constant 0 : i32
    %dma_wait3A_69 = tpu.memref_slice %arg14[%dma_wait3A_67, %dma_wait3A_68] : memref<10112x128xf32, #tpu.memory_space<vmem_shared>> -> memref<10112x128xf32, #tpu.memory_space<vmem_shared>>
    tpu.wait_indirect_dma semaphore(%arg19 : memref<!tpu.dma_semaphore, #tpu.memory_space<semaphore_mem>>) src(%arg11 : memref<128x128xf32, #tpu.memory_space<vmem>>) dst(%dma_wait3A_69 : memref<10112x128xf32, #tpu.memory_space<vmem_shared>>)
    %dma_wait3A_70 = arith.constant 0 : i32
    %dma_wait3A_71 = arith.constant 0 : i32
    %dma_wait3A_72 = tpu.memref_slice %arg14[%dma_wait3A_70, %dma_wait3A_71] : memref<10112x128xf32, #tpu.memory_space<vmem_shared>> -> memref<10112x128xf32, #tpu.memory_space<vmem_shared>>
    tpu.wait_indirect_dma semaphore(%arg20 : memref<!tpu.dma_semaphore, #tpu.memory_space<semaphore_mem>>) src(%arg12 : memref<128x128xf32, #tpu.memory_space<vmem>>) dst(%dma_wait3A_72 : memref<10112x128xf32, #tpu.memory_space<vmem_shared>>)
    %barrier3A_73 = arith.constant 0 : index
    tpu.barrier barrier_id(%barrier3A_73)
    "tpu.region"() ({
      %run_scoped3A = tpu.sem_alloc : memref<!tpu.dma_semaphore, #tpu.memory_space<semaphore_mem>>
      %dma_start3A_74 = arith.constant 0 : i32
      %dma_start3A_75 = tpu.memref_slice %arg6[%mul3A_0, %dma_start3A_74] : memref<10112x128xf32, #tpu.memory_space<hbm>> -> memref<632x128xf32, #tpu.memory_space<hbm>>
      %dma_start3A_76 = arith.constant 0 : i32
      %dma_start3A_77 = tpu.memref_slice %arg14[%mul3A_0, %dma_start3A_76] : memref<10112x128xf32, #tpu.memory_space<vmem_shared>> -> memref<632x128xf32, #tpu.memory_space<vmem_shared>>
      tpu.enqueue_dma source(%dma_start3A_77 : memref<632x128xf32, #tpu.memory_space<vmem_shared>>) target(%dma_start3A_75 : memref<632x128xf32, #tpu.memory_space<hbm>>) target_semaphore(%run_scoped3A : memref<!tpu.dma_semaphore, #tpu.memory_space<semaphore_mem>>)
      %dma_wait3A_78 = arith.constant 0 : i32
      %dma_wait3A_79 = tpu.memref_slice %arg6[%mul3A_0, %dma_wait3A_78] : memref<10112x128xf32, #tpu.memory_space<hbm>> -> memref<632x128xf32, #tpu.memory_space<hbm>>
      %dma_wait3A_80 = arith.constant 0 : i32
      %dma_wait3A_81 = tpu.memref_slice %arg14[%mul3A_0, %dma_wait3A_80] : memref<10112x128xf32, #tpu.memory_space<vmem_shared>> -> memref<632x128xf32, #tpu.memory_space<vmem_shared>>
      tpu.wait_dma2 semaphore(%run_scoped3A : memref<!tpu.dma_semaphore, #tpu.memory_space<semaphore_mem>>) src(%dma_wait3A_81 : memref<632x128xf32, #tpu.memory_space<vmem_shared>>) dst(%dma_wait3A_79 : memref<632x128xf32, #tpu.memory_space<hbm>>)
      tpu.yield
    }) : () -> ()
    return
  }
}

module attributes {stable_mosaic.version = 14 : i64} {
  func.func @_pre_body(%arg0: i32, %arg1: memref<2000x128xf32, #tpu.memory_space<vmem>>, %arg2: memref<128x128xf32, #tpu.memory_space<vmem>>, %arg3: memref<2000x128xf32, #tpu.memory_space<vmem>>) attributes {dimension_semantics = [#tpu.dimension_semantics<arbitrary>], iteration_bounds = array<i64: 5>, scalar_prefetch = 0 : i64, scratch_operands = 0 : i64, tpu.core_type = #tpu.core_type<tc>, window_params = [{transform_indices = @transform_0, window_bounds = array<i64: 2000, 128>}, {pipeline_mode = #tpu.pipeline_mode<synchronous>, transform_indices = @transform_1, window_bounds = array<i64: 128, 128>}, {transform_indices = @transform_2, window_bounds = array<i64: 2000, 128>}]} {
    %get3A = arith.constant 0 : index
    %get3A_0 = arith.constant 0 : index
    %get3A_1 = vector.load %arg1[%get3A, %get3A_0] : memref<2000x128xf32, #tpu.memory_space<vmem>>, vector<2000x128xf32>
    %get3A_2 = arith.constant 0 : index
    %get3A_3 = arith.constant 0 : index
    %get3A_4 = vector.load %arg2[%get3A_2, %get3A_3] : memref<128x128xf32, #tpu.memory_space<vmem>>, vector<128x128xf32>
    %dot_general3A = arith.constant dense<0.000000e+00> : vector<2000x128xf32>
    %dot_general3A_5 = tpu.matmul %get3A_1, %get3A_4, %dot_general3A {dimension_numbers = #tpu.dot_dimension_numbers<[1], [0], [0], [1], [0, 0, 1, 1], [], []>, transpose_lhs_hint = false} : vector<2000x128xf32>, vector<128x128xf32>, vector<2000x128xf32> -> vector<2000x128xf32>
    %swap3A = arith.constant 0 : index
    %swap3A_6 = arith.constant 0 : index
    %swap3A_7 = vector.load %arg3[%swap3A, %swap3A_6] : memref<2000x128xf32, #tpu.memory_space<vmem>>, vector<2000x128xf32>
    tpu.vector_store %arg3[%swap3A, %swap3A_6], %dot_general3A_5 {strides = array<i32>} : memref<2000x128xf32, #tpu.memory_space<vmem>>, vector<2000x128xf32>,
    return
  }
  func.func @transform_0(%arg0: i32) -> (i32, i32) {
    %c0_i32 = arith.constant 0 : i32
    %c0_i32_0 = arith.constant 0 : i32
    return %arg0, %c0_i32 : i32, i32
  }
  func.func @transform_1(%arg0: i32) -> (i32, i32) {
    %c0_i32 = arith.constant 0 : i32
    %c0_i32_0 = arith.constant 0 : i32
    %c0_i32_1 = arith.constant 0 : i32
    return %c0_i32, %c0_i32_0 : i32, i32
  }
  func.func @transform_2(%arg0: i32) -> (i32, i32) {
    %c0_i32 = arith.constant 0 : i32
    %c0_i32_0 = arith.constant 0 : i32
    return %arg0, %c0_i32 : i32, i32
  }
}

module attributes {stable_mosaic.version = 14 : i64} {
  func.func @_scal_body(%arg0: memref<2528x128xf32, #tpu.memory_space<vmem>>, %arg1: memref<2528x128xf32, #tpu.memory_space<vmem>>, %arg2: memref<2528x128xf32, #tpu.memory_space<vmem>>) attributes {dimension_semantics = [], scalar_prefetch = 0 : i64, scratch_operands = 0 : i64, tpu.core_type = #tpu.core_type<tc>} {
    %get3A = arith.constant 0 : index
    %get3A_0 = arith.constant 0 : index
    %get3A_1 = vector.load %arg0[%get3A, %get3A_0] : memref<2528x128xf32, #tpu.memory_space<vmem>>, vector<2528x128xf32>
    %sqrt3A = math.sqrt %get3A_1 : vector<2528x128xf32>
    %mul3A = arith.constant 0.314159274 : f32
    %mul3A_2 = vector.broadcast %mul3A : f32 to vector<2528x128xf32>
    %mul3A_3 = arith.mulf %sqrt3A, %mul3A_2 : vector<2528x128xf32>
    %cos3A = math.cos %mul3A_3 : vector<2528x128xf32>
    %add3A = arith.constant 1.000000e+00 : f32
    %add3A_4 = vector.broadcast %add3A : f32 to vector<2528x128xf32>
    %add3A_5 = arith.addf %cos3A, %add3A_4 : vector<2528x128xf32>
    %mul3A_6 = arith.constant 5.000000e-01 : f32
    %mul3A_7 = vector.broadcast %mul3A_6 : f32 to vector<2528x128xf32>
    %mul3A_8 = arith.mulf %mul3A_7, %add3A_5 : vector<2528x128xf32>
    %iota3A = tpu.iota {dimensions = array<i32: 0>} : vector<2528x128xi32>
    %lt3A = arith.constant 2500 : i32
    %lt3A_9 = vector.broadcast %lt3A : i32 to vector<2528x128xi32>
    %lt3A_10 = arith.cmpi slt, %iota3A, %lt3A_9 : vector<2528x128xi32>
    %convert_element_type3A = arith.extui %lt3A_10 : vector<2528x128xi1> to vector<2528x128xi32>
    %convert_element_type3A_11 = arith.sitofp %convert_element_type3A : vector<2528x128xi32> to vector<2528x128xf32>
    %swap3A = arith.constant 0 : index
    %swap3A_12 = arith.constant 0 : index
    %swap3A_13 = vector.load %arg1[%swap3A, %swap3A_12] : memref<2528x128xf32, #tpu.memory_space<vmem>>, vector<2528x128xf32>
    tpu.vector_store %arg1[%swap3A, %swap3A_12], %sqrt3A {strides = array<i32>} : memref<2528x128xf32, #tpu.memory_space<vmem>>, vector<2528x128xf32>,
    %mul3A_14 = arith.mulf %mul3A_8, %convert_element_type3A_11 : vector<2528x128xf32>
    %swap3A_15 = arith.constant 0 : index
    %swap3A_16 = arith.constant 0 : index
    %swap3A_17 = vector.load %arg2[%swap3A_15, %swap3A_16] : memref<2528x128xf32, #tpu.memory_space<vmem>>, vector<2528x128xf32>
    tpu.vector_store %arg2[%swap3A_15, %swap3A_16], %mul3A_14 {strides = array<i32>} : memref<2528x128xf32, #tpu.memory_space<vmem>>, vector<2528x128xf32>,
    return
  }
}

module attributes {stable_mosaic.version = 14 : i64} {
  func.func @_w_body(%arg0: i32, %arg1: memref<2048x1xf32, #tpu.memory_space<vmem>>, %arg2: memref<2048x1xf32, #tpu.memory_space<vmem>>, %arg3: memref<64x128xf32, #tpu.memory_space<vmem>>, %arg4: memref<1x128xf32, #tpu.memory_space<vmem>>, %arg5: memref<128x128xf32, #tpu.memory_space<vmem>>, %arg6: memref<1x128xf32, #tpu.memory_space<vmem>>, %arg7: memref<2048x128xf32, #tpu.memory_space<vmem>>) attributes {dimension_semantics = [#tpu.dimension_semantics<arbitrary>], iteration_bounds = array<i64: 158>, scalar_prefetch = 0 : i64, scratch_operands = 0 : i64, tpu.core_type = #tpu.core_type<tc>, window_params = [{transform_indices = @transform_0, window_bounds = array<i64: 2048, 1>}, {transform_indices = @transform_1, window_bounds = array<i64: 2048, 1>}, {pipeline_mode = #tpu.pipeline_mode<synchronous>, transform_indices = @transform_2, window_bounds = array<i64: 64, 128>}, {pipeline_mode = #tpu.pipeline_mode<synchronous>, transform_indices = @transform_3, window_bounds = array<i64: 1, 128>}, {pipeline_mode = #tpu.pipeline_mode<synchronous>, transform_indices = @transform_4, window_bounds = array<i64: 128, 128>}, {pipeline_mode = #tpu.pipeline_mode<synchronous>, transform_indices = @transform_5, window_bounds = array<i64: 1, 128>}, {transform_indices = @transform_6, window_bounds = array<i64: 2048, 128>}]} {
    %get3A = arith.constant 0 : index
    %get3A_0 = arith.constant 0 : index
    %get3A_1 = vector.load %arg1[%get3A, %get3A_0] : memref<2048x1xf32, #tpu.memory_space<vmem>>, vector<2048x1xf32>
    %iota3A = tpu.iota {dimensions = array<i32: 1>} : vector<1x64xi32>
    %convert_element_type3A = arith.sitofp %iota3A : vector<1x64xi32> to vector<1x64xf32>
    %mul3A = arith.constant 0.20408164 : f32
    %mul3A_2 = vector.broadcast %mul3A : f32 to vector<1x64xf32>
    %mul3A_3 = arith.mulf %convert_element_type3A, %mul3A_2 : vector<1x64xf32>
    %sub3A = vector.broadcast %get3A_1 : vector<2048x1xf32> to vector<2048x64xf32>
    %sub3A_4 = vector.broadcast %mul3A_3 : vector<1x64xf32> to vector<2048x64xf32>
    %sub3A_5 = arith.subf %sub3A, %sub3A_4 : vector<2048x64xf32>
    %integer_pow3A = arith.mulf %sub3A_5, %sub3A_5 : vector<2048x64xf32>
    %mul3A_6 = arith.constant -1.200500e+01 : f32
    %mul3A_7 = vector.broadcast %mul3A_6 : f32 to vector<2048x64xf32>
    %mul3A_8 = arith.mulf %mul3A_7, %integer_pow3A : vector<2048x64xf32>
    %exp3A = math.exp %mul3A_8 : vector<2048x64xf32>
    %get3A_9 = arith.constant 0 : index
    %get3A_10 = arith.constant 0 : index
    %get3A_11 = vector.load %arg3[%get3A_9, %get3A_10] : memref<64x128xf32, #tpu.memory_space<vmem>>, vector<64x128xf32>
    %dot_general3A = arith.constant dense<0.000000e+00> : vector<2048x128xf32>
    %dot_general3A_12 = tpu.matmul %exp3A, %get3A_11, %dot_general3A {dimension_numbers = #tpu.dot_dimension_numbers<[1], [0], [0], [1], [0, 0, 1, 1], [], []>, transpose_lhs_hint = false} : vector<2048x64xf32>, vector<64x128xf32>, vector<2048x128xf32> -> vector<2048x128xf32>
    %get3A_13 = arith.constant 0 : index
    %get3A_14 = arith.constant 0 : index
    %get3A_15 = vector.load %arg4[%get3A_13, %get3A_14] : memref<1x128xf32, #tpu.memory_space<vmem>>, vector<1x128xf32>
    %add3A = vector.broadcast %get3A_15 : vector<1x128xf32> to vector<2048x128xf32>
    %add3A_16 = arith.addf %dot_general3A_12, %add3A : vector<2048x128xf32>
    %exp3A_17 = math.exp %add3A_16 : vector<2048x128xf32>
    %add3A_18 = arith.constant 1.000000e+00 : f32
    %add3A_19 = vector.broadcast %add3A_18 : f32 to vector<2048x128xf32>
    %add3A_20 = arith.addf %add3A_19, %exp3A_17 : vector<2048x128xf32>
    %mul3A_21 = arith.constant 5.000000e-01 : f32
    %mul3A_22 = vector.broadcast %mul3A_21 : f32 to vector<2048x128xf32>
    %mul3A_23 = arith.mulf %mul3A_22, %add3A_20 : vector<2048x128xf32>
    %log3A = math.log %mul3A_23 : vector<2048x128xf32>
    %get3A_24 = arith.constant 0 : index
    %get3A_25 = arith.constant 0 : index
    %get3A_26 = vector.load %arg5[%get3A_24, %get3A_25] : memref<128x128xf32, #tpu.memory_space<vmem>>, vector<128x128xf32>
    %dot_general3A_27 = arith.constant dense<0.000000e+00> : vector<2048x128xf32>
    %dot_general3A_28 = tpu.matmul %log3A, %get3A_26, %dot_general3A_27 {dimension_numbers = #tpu.dot_dimension_numbers<[1], [0], [0], [1], [0, 0, 1, 1], [], []>, transpose_lhs_hint = false} : vector<2048x128xf32>, vector<128x128xf32>, vector<2048x128xf32> -> vector<2048x128xf32>
    %get3A_29 = arith.constant 0 : index
    %get3A_30 = arith.constant 0 : index
    %get3A_31 = vector.load %arg6[%get3A_29, %get3A_30] : memref<1x128xf32, #tpu.memory_space<vmem>>, vector<1x128xf32>
    %add3A_32 = vector.broadcast %get3A_31 : vector<1x128xf32> to vector<2048x128xf32>
    %add3A_33 = arith.addf %dot_general3A_28, %add3A_32 : vector<2048x128xf32>
    %get3A_34 = arith.constant 0 : index
    %get3A_35 = arith.constant 0 : index
    %get3A_36 = vector.load %arg2[%get3A_34, %get3A_35] : memref<2048x1xf32, #tpu.memory_space<vmem>>, vector<2048x1xf32>
    %mul3A_37 = vector.broadcast %get3A_36 : vector<2048x1xf32> to vector<2048x128xf32>
    %mul3A_38 = arith.mulf %add3A_33, %mul3A_37 : vector<2048x128xf32>
    %swap3A = arith.constant 0 : index
    %swap3A_39 = arith.constant 0 : index
    %swap3A_40 = vector.load %arg7[%swap3A, %swap3A_39] : memref<2048x128xf32, #tpu.memory_space<vmem>>, vector<2048x128xf32>
    tpu.vector_store %arg7[%swap3A, %swap3A_39], %mul3A_38 {strides = array<i32>} : memref<2048x128xf32, #tpu.memory_space<vmem>>, vector<2048x128xf32>,
    return
  }
  func.func @transform_0(%arg0: i32) -> (i32, i32) {
    %c0_i32 = arith.constant 0 : i32
    %c0_i32_0 = arith.constant 0 : i32
    return %arg0, %c0_i32 : i32, i32
  }
  func.func @transform_1(%arg0: i32) -> (i32, i32) {
    %c0_i32 = arith.constant 0 : i32
    %c0_i32_0 = arith.constant 0 : i32
    return %arg0, %c0_i32 : i32, i32
  }
  func.func @transform_2(%arg0: i32) -> (i32, i32) {
    %c0_i32 = arith.constant 0 : i32
    %c0_i32_0 = arith.constant 0 : i32
    %c0_i32_1 = arith.constant 0 : i32
    return %c0_i32, %c0_i32_0 : i32, i32
  }
  func.func @transform_3(%arg0: i32) -> (i32, i32) {
    %c0_i32 = arith.constant 0 : i32
    %c0_i32_0 = arith.constant 0 : i32
    %c0_i32_1 = arith.constant 0 : i32
    return %c0_i32, %c0_i32_0 : i32, i32
  }
  func.func @transform_4(%arg0: i32) -> (i32, i32) {
    %c0_i32 = arith.constant 0 : i32
    %c0_i32_0 = arith.constant 0 : i32
    %c0_i32_1 = arith.constant 0 : i32
    return %c0_i32, %c0_i32_0 : i32, i32
  }
  func.func @transform_5(%arg0: i32) -> (i32, i32) {
    %c0_i32 = arith.constant 0 : i32
    %c0_i32_0 = arith.constant 0 : i32
    %c0_i32_1 = arith.constant 0 : i32
    return %c0_i32, %c0_i32_0 : i32, i32
  }
  func.func @transform_6(%arg0: i32) -> (i32, i32) {
    %c0_i32 = arith.constant 0 : i32
    %c0_i32_0 = arith.constant 0 : i32
    return %arg0, %c0_i32 : i32, i32
  }
}

module attributes {stable_mosaic.version = 14 : i64} {
  func.func @_post_body(%arg0: i32, %arg1: memref<2000x128xf32, #tpu.memory_space<vmem>>, %arg2: memref<128x128xf32, #tpu.memory_space<vmem>>, %arg3: memref<1x128xf32, #tpu.memory_space<vmem>>, %arg4: memref<128x128xf32, #tpu.memory_space<vmem>>, %arg5: memref<1x128xf32, #tpu.memory_space<vmem>>, %arg6: memref<2000x128xf32, #tpu.memory_space<vmem>>) attributes {dimension_semantics = [#tpu.dimension_semantics<arbitrary>], iteration_bounds = array<i64: 5>, scalar_prefetch = 0 : i64, scratch_operands = 0 : i64, tpu.core_type = #tpu.core_type<tc>, window_params = [{transform_indices = @transform_0, window_bounds = array<i64: 2000, 128>}, {pipeline_mode = #tpu.pipeline_mode<synchronous>, transform_indices = @transform_1, window_bounds = array<i64: 128, 128>}, {pipeline_mode = #tpu.pipeline_mode<synchronous>, transform_indices = @transform_2, window_bounds = array<i64: 1, 128>}, {pipeline_mode = #tpu.pipeline_mode<synchronous>, transform_indices = @transform_3, window_bounds = array<i64: 128, 128>}, {pipeline_mode = #tpu.pipeline_mode<synchronous>, transform_indices = @transform_4, window_bounds = array<i64: 1, 128>}, {transform_indices = @transform_5, window_bounds = array<i64: 2000, 128>}]} {
    %get3A = arith.constant 0 : index
    %get3A_0 = arith.constant 0 : index
    %get3A_1 = vector.load %arg1[%get3A, %get3A_0] : memref<2000x128xf32, #tpu.memory_space<vmem>>, vector<2000x128xf32>
    %get3A_2 = arith.constant 0 : index
    %get3A_3 = arith.constant 0 : index
    %get3A_4 = vector.load %arg2[%get3A_2, %get3A_3] : memref<128x128xf32, #tpu.memory_space<vmem>>, vector<128x128xf32>
    %dot_general3A = arith.constant dense<0.000000e+00> : vector<2000x128xf32>
    %dot_general3A_5 = tpu.matmul %get3A_1, %get3A_4, %dot_general3A {dimension_numbers = #tpu.dot_dimension_numbers<[1], [0], [0], [1], [0, 0, 1, 1], [], []>, transpose_lhs_hint = false} : vector<2000x128xf32>, vector<128x128xf32>, vector<2000x128xf32> -> vector<2000x128xf32>
    %get3A_6 = arith.constant 0 : index
    %get3A_7 = arith.constant 0 : index
    %get3A_8 = vector.load %arg3[%get3A_6, %get3A_7] : memref<1x128xf32, #tpu.memory_space<vmem>>, vector<1x128xf32>
    %add3A = vector.broadcast %get3A_8 : vector<1x128xf32> to vector<2000x128xf32>
    %add3A_9 = arith.addf %dot_general3A_5, %add3A : vector<2000x128xf32>
    %custom_jvp_call3A = arith.constant 0.000000e+00 : f32
    %max3A = vector.broadcast %custom_jvp_call3A : f32 to vector<2000x128xf32>
    %max3A_10 = arith.maximumf %add3A_9, %max3A : vector<2000x128xf32>
    %sub3A = vector.broadcast %custom_jvp_call3A : f32 to vector<2000x128xf32>
    %sub3A_11 = arith.subf %add3A_9, %sub3A : vector<2000x128xf32>
    %ne3A = arith.cmpf one, %sub3A_11, %sub3A_11 : vector<2000x128xf32>
    %add3A_12 = vector.broadcast %custom_jvp_call3A : f32 to vector<2000x128xf32>
    %add3A_13 = arith.addf %add3A_9, %add3A_12 : vector<2000x128xf32>
    %abs3A = math.absf %sub3A_11 : vector<2000x128xf32>
    %neg3A = arith.constant 0.000000e+00 : f32
    %neg3A_14 = vector.broadcast %neg3A : f32 to vector<2000x128xf32>
    %neg3A_15 = arith.subf %neg3A_14, %abs3A : vector<2000x128xf32>
    %exp3A = math.exp %neg3A_15 : vector<2000x128xf32>
    %log1p3A = math.log1p %exp3A : vector<2000x128xf32>
    %add3A_16 = arith.addf %max3A_10, %log1p3A : vector<2000x128xf32>
    %select_n3A = arith.select %ne3A, %add3A_13, %add3A_16 : vector<2000x128xi1>, vector<2000x128xf32>
    %sub3A_17 = arith.constant 0.693147182 : f32
    %sub3A_18 = vector.broadcast %sub3A_17 : f32 to vector<2000x128xf32>
    %sub3A_19 = arith.subf %select_n3A, %sub3A_18 : vector<2000x128xf32>
    %get3A_20 = arith.constant 0 : index
    %get3A_21 = arith.constant 0 : index
    %get3A_22 = vector.load %arg4[%get3A_20, %get3A_21] : memref<128x128xf32, #tpu.memory_space<vmem>>, vector<128x128xf32>
    %dot_general3A_23 = arith.constant dense<0.000000e+00> : vector<2000x128xf32>
    %dot_general3A_24 = tpu.matmul %sub3A_19, %get3A_22, %dot_general3A_23 {dimension_numbers = #tpu.dot_dimension_numbers<[1], [0], [0], [1], [0, 0, 1, 1], [], []>, transpose_lhs_hint = false} : vector<2000x128xf32>, vector<128x128xf32>, vector<2000x128xf32> -> vector<2000x128xf32>
    %get3A_25 = arith.constant 0 : index
    %get3A_26 = arith.constant 0 : index
    %get3A_27 = vector.load %arg5[%get3A_25, %get3A_26] : memref<1x128xf32, #tpu.memory_space<vmem>>, vector<1x128xf32>
    %add3A_28 = vector.broadcast %get3A_27 : vector<1x128xf32> to vector<2000x128xf32>
    %add3A_29 = arith.addf %dot_general3A_24, %add3A_28 : vector<2000x128xf32>
    %swap3A = arith.constant 0 : index
    %swap3A_30 = arith.constant 0 : index
    %swap3A_31 = vector.load %arg6[%swap3A, %swap3A_30] : memref<2000x128xf32, #tpu.memory_space<vmem>>, vector<2000x128xf32>
    tpu.vector_store %arg6[%swap3A, %swap3A_30], %add3A_29 {strides = array<i32>} : memref<2000x128xf32, #tpu.memory_space<vmem>>, vector<2000x128xf32>,
    return
  }
  func.func @transform_0(%arg0: i32) -> (i32, i32) {
    %c0_i32 = arith.constant 0 : i32
    %c0_i32_0 = arith.constant 0 : i32
    return %arg0, %c0_i32 : i32, i32
  }
  func.func @transform_1(%arg0: i32) -> (i32, i32) {
    %c0_i32 = arith.constant 0 : i32
    %c0_i32_0 = arith.constant 0 : i32
    %c0_i32_1 = arith.constant 0 : i32
    return %c0_i32, %c0_i32_0 : i32, i32
  }
  func.func @transform_2(%arg0: i32) -> (i32, i32) {
    %c0_i32 = arith.constant 0 : i32
    %c0_i32_0 = arith.constant 0 : i32
    %c0_i32_1 = arith.constant 0 : i32
    return %c0_i32, %c0_i32_0 : i32, i32
  }
  func.func @transform_3(%arg0: i32) -> (i32, i32) {
    %c0_i32 = arith.constant 0 : i32
    %c0_i32_0 = arith.constant 0 : i32
    %c0_i32_1 = arith.constant 0 : i32
    return %c0_i32, %c0_i32_0 : i32, i32
  }
  func.func @transform_4(%arg0: i32) -> (i32, i32) {
    %c0_i32 = arith.constant 0 : i32
    %c0_i32_0 = arith.constant 0 : i32
    %c0_i32_1 = arith.constant 0 : i32
    return %c0_i32, %c0_i32_0 : i32, i32
  }
  func.func @transform_5(%arg0: i32) -> (i32, i32) {
    %c0_i32 = arith.constant 0 : i32
    %c0_i32_0 = arith.constant 0 : i32
    return %arg0, %c0_i32 : i32, i32
  }
}

</mosaic_0001>

<sc_bundles>
// kernel: kernel.11.cloned.1.call-start
scs
__scs_entry_jumppad:
0x0: {  	(pc) =	sbr.rel $0x88, $3  }
0x1: {  	(tag) =	ssettag $0x0;
	lr =	simm.s32 $0x1  }
0x2: {  	[smem:$0x3F95] =	sst lr;
	_ =	strace $0xD0000000  }
0x3: {  	_ = 	snop  }
0x4: {  	_ = 	snop  }
0x5: {  	_ = 	snop  }
0x6: {  	_ = 	snop  }
0x7: {  	_ = 	snop  }
__scs_overlays_trampoline_lowered:
0x8: {  	[smem:$0x3FA4] =	sst s0  }
0x9: {  	[smem:$0x3FA5] =	sst s1  }
0xa: {  	[smem:$0x3FA6] =	sst s2  }
0xb: {  	[smem:$0x3FA7] =	sst s3  }
0xc: {  	[smem:$0x3FA8] =	sst s4  }
0xd: {  	[smem:$0x3FA9] =	sst s5  }
0xe: {  	[smem:$0x3FAA] =	sst s6  }
0xf: {  	[smem:$0x3FAB] =	sst s7  }
0x10: {  	[smem:$0x3FAC] =	sst s8  }
0x11: {  	[smem:$0x3FAD] =	sst s9;
	s0 =	simm.s32 @!p0 $0x0  }
0x12: {  	s1 =	sld [smem:$0x3F93];
	s0 =	simm.s32 @p0 $0x1  }
0x13: {  	[smem:$0x3FAE] =	sst s0;
	s0 =	simm.s32 @!p1 $0x0  }
0x14: {  	s2 =	sld [smem:$0x3F92];
	s0 =	simm.s32 @p1 $0x1  }
0x15: {  	[smem:$0x3FAF] =	sst s0;
	s0 =	simm.s32 @!p2 $0x0  }
0x16: {  	s3 =	sld [smem:$0x3FDB];
	s0 =	simm.s32 @p2 $0x1  }
0x17: {  	s4 =	simm.s32 $0x1BF5;
	[smem:$0x3FB1] =	sst s0  }
0x18: {  	s0 =	sld [smem:$0x3F94];
	_ =	swait.ge [sflag:s4], $0x0  }
0x19: {  	s7 =	sld [smem:$0x3F95]  }
0x1a: {  	s8 =	sadd.s32 $0xFFFFE003, lr  }
0x1b: {  	s9 =	sadd.s32 $0xFFFFFEF7, lr;
	s5 =	simm.s32 $0xFFFFFFFF;
	p2 =	slt.u32 s8, $0xFFFFF086  }
0x1c: {  	p1 =	slt.u32 s9, $0xF7A;
	s5 =	simm.s32 @!p2 $0x0  }
0x1d: {  	s5 =	simm.s32 @p1 $0x1;
	p0 =	seq.s32 s7, s2  }
0x1e: {  	s7 =	smul.u32 @!p0 $0xF7A, s2;
	p2 =	seq.s32 @!p0 s5, $0x0  }
0x1f: {  	s9 =	smul.u32 $0xF7A, s1;
	s8 =	simm.s32 @!p0 $0x1BF5;
	p2 =	por !p2, p0  }
0x20: {  	[sflag:s8] =	ssyncset.s32 @!p0 $0xFFFFF086;
	s6 =	sadd.s32 @!p0 s3, s7;
	s7 =	simm.s32 @!p0 $0x108  }
0x21: {  	s3 =	sadd.s32 s3, s9;
	s6 =	sadd.s32 @!p0 $0x88, s6;
	s7 =	simm.s32 @p2 $0x1082  }
0x22: {  	[simem:s7], [sflag:s8] =	dma.local @!p0 [hbm:s6], $0xF7A  }
0x23: {  	s9 =	sor.u32 $0xD0000000, s2;
	s6 =	simm.s32 $0x108;
	_ =	swait.ge @!p0 [sflag:s8], $0x0  }
0x24: {  	s3 =	sadd.s32 $0x88, s3;
	s6 =	simm.s32 @!p1 $0x1082;
	[sflag:s4] =	ssyncset.s32 $0xFFFFF086  }
0x25: {  	[simem:s6], [sflag:s4] =	dma.local [hbm:s3], $0xF7A  }
0x26: {  	[smem:$0x3F95] =	sst s1;
	(tag) =	ssettag s2;
	_ =	strace s9  }
0x27: {  	s1 =	sld [smem:$0x3FA5]  }
0x28: {  	s2 =	sld [smem:$0x3FA6]  }
0x29: {  	s4 =	sld [smem:$0x3FA8]  }
0x2a: {  	p0 =	seq.s32 s5, $0x0;
	s5 =	sld [smem:$0x3FA9]  }
0x2b: {  	s6 =	sld [smem:$0x3FAA]  }
0x2c: {  	s7 =	sld [smem:$0x3FAB]  }
0x2d: {  	s3 =	simm.s32 $0x108;
	s8 =	sld [smem:$0x3FAC]  }
0x2e: {  	s3 =	simm.s32 @!p0 $0x1082;
	s9 =	sld [smem:$0x3FAD]  }
0x2f: {  	lr =	sadd.s32 s0, s3;
	s0 =	sld [smem:$0x3FA4]  }
0x30: {  	s3 =	sld [smem:$0x3FA7]  }
0x31: {  	[smem:$0x3FB0] =	sst s10  }
0x32: {  	s10 =	sld [smem:$0x3FAE];
	_ =	sdelay $0x3  }
0x33: {  	p0 =	seq.s32 s10, $0x1;
	s10 =	sld [smem:$0x3FB0];
	_ =	sdelay $0x3  }
0x34: {  	[smem:$0x3FB0] =	sst s10  }
0x35: {  	s10 =	sld [smem:$0x3FAF];
	_ =	sdelay $0x3  }
0x36: {  	p1 =	seq.s32 s10, $0x1;
	s10 =	sld [smem:$0x3FB0];
	_ =	sdelay $0x3  }
0x37: {  	[smem:$0x3FB0] =	sst s10  }
0x38: {  	s10 =	sld [smem:$0x3FB1]  }
0x39: {  	_ = 	snop;
	(pc) =	sbr.ind lr, $3  }
0x3a: {  	_ = 	snop  }
0x3b: {  	_ = 	snop  }
0x3c: {  	p2 =	seq.s32 s10, $0x1;
	s10 =	sld [smem:$0x3FB0]  }
0x3d: {  	_ =	shalt  }
0x3e: {  	_ =	shalt  }
0x3f: {  	_ =	shalt  }
0x40: {  	_ =	shalt  }
0x41: {  	_ =	shalt  }
0x42: {  	_ =	shalt  }
0x43: {  	_ =	shalt  }
0x44: {  	_ =	shalt  }
0x45: {  	_ =	shalt  }
0x46: {  	_ =	shalt  }
0x47: {  	_ =	shalt  }
0x48: {  	_ =	shalt  }
0x49: {  	_ =	shalt  }
0x4a: {  	_ =	shalt  }
0x4b: {  	_ =	shalt  }
0x4c: {  	_ =	shalt  }
0x4d: {  	_ =	shalt  }
0x4e: {  	_ =	shalt  }
0x4f: {  	_ =	shalt  }
0x50: {  	_ =	shalt  }
0x51: {  	_ =	shalt  }
0x52: {  	_ =	shalt  }
0x53: {  	_ =	shalt  }
0x54: {  	_ =	shalt  }
0x55: {  	_ =	shalt  }
0x56: {  	_ =	shalt  }
0x57: {  	_ =	shalt  }
0x58: {  	_ =	shalt  }
0x59: {  	_ =	shalt  }
0x5a: {  	_ =	shalt  }
0x5b: {  	_ =	shalt  }
0x5c: {  	_ =	shalt  }
0x5d: {  	_ =	shalt  }
0x5e: {  	_ =	shalt  }
0x5f: {  	_ =	shalt  }
0x60: {  	_ =	shalt  }
0x61: {  	_ =	shalt  }
0x62: {  	_ =	shalt  }
0x63: {  	_ =	shalt  }
0x64: {  	_ =	shalt  }
0x65: {  	_ =	shalt  }
0x66: {  	_ =	shalt  }
0x67: {  	_ =	shalt  }
0x68: {  	_ =	shalt  }
0x69: {  	_ =	shalt  }
0x6a: {  	_ =	shalt  }
0x6b: {  	_ =	shalt  }
0x6c: {  	_ =	shalt  }
0x6d: {  	_ =	shalt  }
0x6e: {  	_ =	shalt  }
0x6f: {  	_ =	shalt  }
0x70: {  	_ =	shalt  }
0x71: {  	_ =	shalt  }
0x72: {  	_ =	shalt  }
0x73: {  	_ =	shalt  }
0x74: {  	_ =	shalt  }
0x75: {  	_ =	shalt  }
0x76: {  	_ =	shalt  }
0x77: {  	_ =	shalt  }
0x78: {  	_ =	shalt  }
0x79: {  	_ =	shalt  }
0x7a: {  	_ =	shalt  }
0x7b: {  	_ =	shalt  }
0x7c: {  	_ =	shalt  }
0x7d: {  	_ =	shalt  }
0x7e: {  	_ =	shalt  }
0x7f: {  	_ =	shalt  }
0x80: {  	_ =	shalt  }
0x81: {  	_ =	shalt  }
0x82: {  	_ =	shalt  }
0x83: {  	_ =	shalt  }
0x84: {  	_ =	shalt  }
0x85: {  	_ =	shalt  }
0x86: {  	_ =	shalt  }
0x87: {  	_ =	shalt  }
.Lfunc_end0:
.L_simem_size_0:
called_computation.1_lowered:
.L_overlay_start_0:
0x88: {  	s0 =	sld [smem:$0x3FD9]  }
0x89: {  	s1 =	sld [smem:$0x3FFE];
	_ =	sdelay $0x3  }
0x8a: {  	s0 =	sadd.s32 s1, s0  }
0x8b: {  	[smem:$0x3FBC] =	sst s0  }
0x8c: {  	_ = 	snop  }
0x8d: {  	s0 =	sld [smem:$0x3FD0];
	_ =	sdelay $0x2  }
0x8e: {  	s13 =	simm.s32 $0xA;
	s2 =	simm.s32 $0x10  }
0x8f: {  	[smem:s2], [sflag:s13] =	dma.local [hbm:s0], $0x1  }
0x90: {  	_ =	swait.eq [sflag:s13], $0x1  }
0x91: {  	[sflag:s13] =	ssyncset.done $0x0  }
0x92: {  	[sflag:s13] =	ssyncadd.s32 $0xFFFFFFFF  }
0x93: {  	s14 =	sld [smem:$0x10];
	(tm) =	ssettm $0x1  }
0x94: {  	s15 =	sld [smem:$0x3FFB];
	_ =	sdelay $0x3  }
0x95: {  	_ =	strace s15  }
0x96: {  	s1 =	sld [smem:$0x3FFC];
	_ =	sdelay $0x3  }
0x97: {  	_ =	strace s1  }
0x98: {  	s1 =	sld [smem:$0x3FFD];
	_ =	sdelay $0x3  }
0x99: {  	_ =	strace s1  }
0x9a: {  	_ =	strace $0x8FFFFFFF  }
0x9b: {  	s16 =	sld [smem:$0x3FDB];
	_ =	sdelay $0x1  }
0x9c: {  	s17 =	simm.s32 $_scs_section_size  }
0x9d: {  	s3 =	simm.s32 $_size__tile_overlayer_lowered;
	s4 =	simm.s32 $_tile_overlayer_lowered  }
0x9e: {  	s20 =	simm.s32 $0x1BFF;
	s19 =	sshll.u32 s4, $0x1;
	s1 =	sadd.s32 s17, s16  }
0x9f: {  	s5 =	simm.s32 $0x0;
	s18 =	sshll.u32 s3, $0x1;
	s3 =	sadd.s32 s19, s1  }
0xa0: {  	[timem:s5], [sflag:s20] =	dma.local [hbm:s3], s18  }
0xa1: {  	_ =	swait.ge [sflag:s20], s18  }
0xa2: {  	s2 =	ssub.s32 $0x0, s18;
	[sflag:s20] =	ssyncset.done $0x0  }
0xa3: {  	[sflag:s20] =	ssyncadd.s32 s2;
	_ =	sdelay $0x1  }
0xa4: {  	s21 =	simm.s32 $0x1B8B  }
0xa5: {  	_ =	swait.ge [sflag:s21], $0x1  }
0xa6: {  	[sflag:s21] =	ssyncset.done $0x0  }
0xa7: {  	s23 =	simm.s32 $0x1B8E;
	s22 =	sld [smem:$0x3FFE];
	[sflag:s21] =	ssyncadd.s32 $0xFFFFFFFF  }
0xa8: {  	s24 =	simm.s32 $execute0_lowered;
	[smem:$0x3FD2] =	sst s23  }
0xa9: {  	s3 =	sshll.u32 s24, $0x1;
	_ =	strace $0x80000049;
	[dreg:$0x1] =	wrdreg $0xFFFFFFFF  }
0xaa: {  	s25 =	simm.s32 $_size_execute0_lowered;
	s1 =	sadd.s32 s1, s3;
	[dreg:$0x0] =	wrdreg $0x0  }
0xab: {  	s3 =	sshll.u32 s25, $0x1;
	[dreg:$0x2] =	wrdreg s1  }
0xac: {  	[dreg:$0x3] =	wrdreg s3  }
0xad: {  	[dreg:$0x4] =	wrdreg $0xC0  }
0xae: {  	_ =	task [dreg:s5], $0x5FFFF  }
0xaf: {  	[dreg:$0x1] =	wrdreg $0xFFFFFFFF  }
0xb0: {  	[dreg:$0x0] =	wrdreg $0x60  }
0xb1: {  	[dreg:$0x2] =	wrdreg s14  }
0xb2: {  	[dreg:$0x3] =	wrdreg s22  }
0xb3: {  	[dreg:$0x4] =	wrdreg $0xC2000  }
0xb4: {  	[dreg:$0x5] =	wrdreg $0x9  }
0xb5: {  	_ =	task.clear_ibuf [dreg:s5], $0x6FFFF;
	_ =	strace $0x90000049  }
0xb6: {  	s26 =	simm.s32 $0x9;
	_ =	strace $0x8000004B  }
0xb7: {  	_ =	swait.ge [sflag:s26], $0x1  }
0xb8: {  	[sflag:s26] =	ssyncadd.s32 $0xFFFFFFFF  }
0xb9: {  	_ =	strace $0x9000004B  }
0xba: {  	_ =	sfence  }
0xbb: {  	s28 =	sld [smem:$0x0];
	_ =	sdelay $0x1  }
0xbc: {  	s29 =	srdreg.scid  }
0xbd: {  	s30 =	sshll.u32 s29, $0xD;
	s31 =	sshrl.u32 s29, $0x2  }
0xbe: {  	s2 =	sand.u32 $0x4000, s30;
	s1 =	sand.u32 $0x1, s29;
	s0 =	sadd.s32 s31, s28  }
0xbf: {  	s1 =	sor.u32 s2, s1;
	s0 =	sshll.u32 s0, $0x11  }
0xc0: {  	s0 =	sor.u32 s0, s1  }
0xc1: {  	s0 =	sadd.s32 $0x8F2B, s0  }
0xc2: {  	[sflag:s0] =	ssyncadd.remote.s32 $0x1  }
0xc3: {  	_ =	sfence.sel $0xFFFF  }
0xc4: {  	[dreg:$0x0] =	wrdreg $0xFFFFFFFF;
	(pc) =	sbr.abs _section_cstart, $3  }
0xc5: {  	[dreg:$0x1] =	wrdreg $0xFFFFFFFF  }
0xc6: {  	_ =	task.clear_ibuf [dreg:s5], $0x2FFFF;
	_ =	strace $0x9FFFFFFF  }
0xc7: {  	(tm) =	ssettm $0x7FFFFFFF  }
tec
execute0_lowered:
.L_overlay_start_1:
0x0: {  	(tag) =	ssettag $0x1  }
0x1: {  	s4 =	rddreg [dreg:$0x0]  }
0x2: {  	s1 =	rddreg [dreg:$0x1]  }
0x3: {  	s3 =	rddreg [dreg:$0x2];
	s2 =	simm.s32 $0x0  }
0x4: {  	s8 =	simm.s32 $0x0;
	s9 =	simm.s32 $0x200;
	[smem:$0x7FF] =	sst s2  }
0x5: {  	s5 =	sadd.s32 $0x9F5200, s1;
	s6 =	sadd.s32 $0xB400, s1;
	s7 =	sadd.s32 $0x1600, s1  }
0x6: {  	v0 =	vimm.f32 $0.0e+00;
	s2 =	sadd.s32 $0x15200, s1;
	s1 =	stileid.u32;
	_ =	strace $0x8000004A  }
.LBB2_1:
0x7: {  	p0 =	sne.s32 s9, $0xFE00;
	[tilespmem:s8+$0x8270] =	vst v0  }
0x8: {  	[tilespmem:s8+$0x8200] =	vst v0  }
0x9: {  	[tilespmem:s8+$0x8210] =	vst v0  }
.Ltmp0:
0xa: {  	[tilespmem:s8+$0x8220] =	vst v0;
	(pc) =	sbr.rel @p0 .LBB2_1-.Ltmp0, $4  }
0xb: {  	[tilespmem:s8+$0x8230] =	vst v0  }
0xc: {  	[tilespmem:s8+$0x8240] =	vst v0  }
0xd: {  	[tilespmem:s8+$0x8250] =	vst v0  }
0xe: {  	[tilespmem:s8+$0x8260] =	vst v0;
	s8 =	sshra.s32 s9, $0x2;
	s9 =	sadd.s32 $0x200, s9  }
0xf: {  	[tilespmem:s8+$0x8270] =	vst v0  }
0x10: {  	[tilespmem:s8+$0x8200] =	vst v0  }
0x11: {  	[tilespmem:s8+$0x8210] =	vst v0  }
0x12: {  	[tilespmem:s8+$0x8220] =	vst v0  }
0x13: {  	[tilespmem:s8+$0x8230] =	vst v0  }
0x14: {  	[tilespmem:s8+$0x8240] =	vst v0;
	s9 =	smul.u32 $0x13C00, s1  }
0x15: {  	[tilespmem:s8+$0x8250] =	vst v0;
	s17 =	smul.u32 $0x4F000, s1  }
0x16: {  	[tilespmem:s8+$0x8260] =	vst v0;
	s10 =	simm.s32 $0x8200;
	s11 =	simm.s32 $0x8;
	s8 =	sadd.s32 s9, s3  }
0x17: {  	[spmem:s8] =	stream.linear.scatter [tilespmem:s10], [sflag:$0x8], $0x4000, $0x38;
	[tilespmem:$0x1FE00] =	vst v63  }
0x18: {  	s12 =	sshrl.u32 s17, $0x2;
	_ =	swait.ge [sflag:s11], $0x4000  }
0x19: {  	s12 =	sadd.s32 s12, s3;
	[sflag:s11] =	ssyncset.done $0x0  }
0x1a: {  	s13 =	sadd.s32 $0x4000, s12;
	[sflag:s11] =	ssyncadd.s32 $0xFFFFC000  }
0x1b: {  	[spmem:s13] =	stream.linear.scatter [tilespmem:s10], [sflag:$0x8], $0x4000, $0x38;
	[tilespmem:$0x1FE00] =	vst v63  }
0x1c: {  	_ =	swait.ge [sflag:s11], $0x4000  }
0x1d: {  	[sflag:s11] =	ssyncset.done $0x0  }
0x1e: {  	s25 =	sadd.s32 $0x8000, s12;
	[sflag:s11] =	ssyncadd.s32 $0xFFFFC000  }
0x1f: {  	[spmem:s25] =	stream.linear.scatter [tilespmem:s10], [sflag:$0x8], $0x4000, $0x38;
	[tilespmem:$0x1FE00] =	vst v63  }
0x20: {  	_ =	swait.ge [sflag:s11], $0x4000  }
0x21: {  	[sflag:s11] =	ssyncset.done $0x0  }
0x22: {  	s26 =	sadd.s32 $0xC000, s12;
	[sflag:s11] =	ssyncadd.s32 $0xFFFFC000  }
0x23: {  	[spmem:s26] =	stream.linear.scatter [tilespmem:s10], [sflag:$0x8], $0x4000, $0x38;
	[tilespmem:$0x1FE00] =	vst v63  }
0x24: {  	_ =	swait.ge [sflag:s11], $0x4000  }
0x25: {  	[sflag:s11] =	ssyncset.done $0x0  }
0x26: {  	s12 =	sadd.s32 $0x10000, s12;
	[sflag:s11] =	ssyncadd.s32 $0xFFFFC000  }
0x27: {  	[spmem:s12] =	stream.linear.scatter [tilespmem:s10], [sflag:$0x8], $0x3C00, $0x38;
	[tilespmem:$0x1FE00] =	vst v63  }
0x28: {  	s21 =	smul.u32 $0x4F00, s1;
	_ =	swait.ge [sflag:s11], $0x3C00  }
0x29: {  	[sflag:s11] =	ssyncset.done $0x0  }
0x2a: {  	s28 =	sshrl.u32 s21, $0x3;
	[sflag:s11] =	ssyncadd.s32 $0xFFFFC400  }
0x2b: {  	s29 =	sadd.s32 s6, s28;
	s11 =	simm.s32 $0x0;
	[bflag:$0x0] =	sbarrier.arrive $0xFFFF  }
0x2c: {  	[tilespmem:s11], [sflag:$0x3] =	stream.linear.gather [hbm4b:s29+s11], $0x80, $0x38;
	[tilespmem:$0x1FE00] =	vst v63  }
0x2d: {  	s30 =	simm.s32 $0x3;
	s14 =	sadd.s32 s7, s28;
	s12 =	simm.s32 $0x100  }
0x2e: {  	[tilespmem:s12], [sflag:$0x3] =	stream.linear.gather [hbm4b:s14+s11], $0x80, $0x38;
	[tilespmem:$0x1FE00] =	vst v63  }
0x2f: {  	_ =	swait.ge [sflag:s30], $0x80  }
0x30: {  	[sflag:s30] =	ssyncset.done $0x0  }
0x31: {  	[sflag:s30] =	ssyncadd.s32 $0xFFFFFF80  }
0x32: {  	_ =	swait.ge [sflag:s30], $0x80  }
0x33: {  	s15 =	sor.u32 $0x10, s28;
	[sflag:s30] =	ssyncset.done $0x0  }
0x34: {  	s13 =	simm.s32 $0x80;
	s14 =	simm.s32 $0x200;
	[sflag:s30] =	ssyncadd.s32 $0xFFFFFF80  }
0x35: {  	[tilespmem:s14], [sflag:$0x1] =	stream.indirect.gather [hbm4b:s4+s13], $0x80, s11, s13, $0xb8;
	[tilespmem:$0x1FE00] =	vst v63  }
0x36: {  	s16 =	sadd.s32 s6, s15  }
0x37: {  	[tilespmem:s13], [sflag:$0x4] =	stream.linear.gather [hbm4b:s16+s11], $0x80, $0x38;
	[tilespmem:$0x1FE00] =	vst v63  }
0x38: {  	s31 =	sadd.s32 s7, s15;
	s15 =	simm.s32 $0x180;
	s16 =	simm.s32 $0x4  }
0x39: {  	[tilespmem:s15], [sflag:$0x4] =	stream.linear.gather [hbm4b:s31+s11], $0x80, $0x38;
	[tilespmem:$0x1FE00] =	vst v63  }
0x3a: {  	_ =	swait.ge [sflag:s16], $0x80  }
0x3b: {  	[sflag:s16] =	ssyncset.done $0x0  }
0x3c: {  	[sflag:s16] =	ssyncadd.s32 $0xFFFFFF80  }
0x3d: {  	s20 =	smul.u32 $0x278000, s1;
	s23 =	simm.s32 $0x7;
	_ =	swait.ge [sflag:s16], $0x80  }
0x3e: {  	s24 =	simm.s32 $0x2;
	s22 =	sadd.s32 s5, s17;
	[sflag:s16] =	ssyncset.done $0x0  }
0x3f: {  	s17 =	simm.s32 $0x4200;
	s18 =	sor.u32 $0x4000, s20;
	[sflag:s16] =	ssyncadd.s32 $0xFFFFFF80  }
0x40: {  	[tilespmem:s17], [sflag:$0x2] =	stream.indirect.gather [hbm4b:s4+s13], $0x80, s13, s13, $0xb8;
	[tilespmem:$0x1FE00] =	vst v63  }
0x41: {  	s19 =	sadd.s32 $0x100, s21;
	s20 =	sadd.s32 $0x8000, s20;
	s21 =	sadd.s32 $0x180, s21  }
0x42: {  	[tilespmem:s10], [sflag:$0x7] =	stream.linear.gather [hbm4b:s22+s11], $0x4000, $0x38;
	[tilespmem:$0x1FE00] =	vst v63  }
0x43: {  	s25 =	simm.s32 $0x6;
	s26 =	simm.s32 $0x0;
	s22 =	simm.s32 $0x1  }
.LBB2_3:
0x44: {  	_ =	swait.ge [sflag:s22], $0x4000  }
0x45: {  	[sflag:s22] =	ssyncset.done $0x0  }
0x46: {  	[sflag:s22] =	ssyncadd.s32 $0xFFFFC000  }
0x47: {  	_ =	swait.ge [sflag:s23], $0x4000  }
0x48: {  	[sflag:s23] =	ssyncset.done $0x0  }
0x49: {  	s29 =	simm.s32 $0x0;
	[sflag:s23] =	ssyncadd.s32 $0xFFFFC000  }
0x4a: {  	v7 =	vld [tilespmem:s29+$0x8200]  }
0x4b: {  	v11 =	vld [tilespmem:s29+$0x8210]  }
0x4c: {  	v5 =	vld [tilespmem:s29+$0x8220]  }
0x4d: {  	v4 =	vld [tilespmem:s29+$0x8230]  }
0x4e: {  	v3 =	vld [tilespmem:s29+$0x8240]  }
0x4f: {  	v2 =	vld [tilespmem:s29+$0x8250]  }
0x50: {  	v1 =	vld [tilespmem:s29+$0x8260]  }
0x51: {  	v0 =	vld [tilespmem:s29+$0x8270]  }
0x52: {  	v12 =	vld [tilespmem:s29+$0x200]  }
0x53: {  	v13 =	vld [tilespmem:s29+$0x210]  }
0x54: {  	v10 =	vld [tilespmem:s29+$0x220]  }
0x55: {  	v9 =	vld [tilespmem:s29+$0x230]  }
0x56: {  	v8 =	vld [tilespmem:s29+$0x240]  }
0x57: {  	v6 =	vld [tilespmem:s29+$0x250];
	v12 =	vmul.f32 v7, v12  }
0x58: {  	s28 =	simm.s32 $0x200;
	v11 =	vmul.f32 v11, v13;
	v7 =	vld [tilespmem:s29+$0x260]  }
.LBB2_4:
0x59: {  	s30 =	sshra.s32 s28, $0x2;
	p0 =	sne.s32 s28, $0xFE00;
	[tilespmem:s29+$0x200] =	vst v12;
	v5 =	vmul.f32 v5, v10;
	v10 =	vld [tilespmem:s29+$0x270]  }
0x5a: {  	v12 =	vld [tilespmem:s30+$0x8200];
	[tilespmem:s29+$0x210] =	vst v11;
	v4 =	vmul.f32 v4, v9  }
0x5b: {  	v11 =	vld [tilespmem:s30+$0x8210];
	[tilespmem:s29+$0x220] =	vst v5;
	v3 =	vmul.f32 v3, v8  }
0x5c: {  	v5 =	vld [tilespmem:s30+$0x8220];
	[tilespmem:s29+$0x230] =	vst v4;
	v2 =	vmul.f32 v2, v6  }
0x5d: {  	v4 =	vld [tilespmem:s30+$0x8230];
	[tilespmem:s29+$0x240] =	vst v3;
	v1 =	vmul.f32 v1, v7  }
0x5e: {  	v3 =	vld [tilespmem:s30+$0x8240];
	[tilespmem:s29+$0x250] =	vst v2;
	v0 =	vmul.f32 v0, v10  }
0x5f: {  	v2 =	vld [tilespmem:s30+$0x8250];
	[tilespmem:s29+$0x260] =	vst v1  }
0x60: {  	v1 =	vld [tilespmem:s30+$0x8260];
	[tilespmem:s29+$0x270] =	vst v0;
	s29 =	smov.u32 s30  }
0x61: {  	v0 =	vld [tilespmem:s29+$0x8270]  }
0x62: {  	v6 =	vld [tilespmem:s29+$0x200]  }
0x63: {  	v7 =	vld [tilespmem:s29+$0x210]  }
.Ltmp1:
0x64: {  	v10 =	vld [tilespmem:s29+$0x220];
	(pc) =	sbr.rel @p0 .LBB2_4-.Ltmp1, $4  }
0x65: {  	v9 =	vld [tilespmem:s29+$0x230]  }
0x66: {  	v8 =	vld [tilespmem:s29+$0x240]  }
0x67: {  	v12 =	vmul.f32 v12, v6;
	v6 =	vld [tilespmem:s29+$0x250]  }
0x68: {  	s28 =	sadd.s32 $0x200, s28;
	v11 =	vmul.f32 v11, v7;
	v7 =	vld [tilespmem:s29+$0x260]  }
0x69: {  	[tilespmem:s29+$0x200] =	vst v12;
	v5 =	vmul.f32 v5, v10;
	v10 =	vld [tilespmem:s29+$0x270]  }
0x6a: {  	[tilespmem:s29+$0x210] =	vst v11;
	v4 =	vmul.f32 v4, v9  }
0x6b: {  	[tilespmem:s29+$0x220] =	vst v5;
	v3 =	vmul.f32 v3, v8  }
0x6c: {  	[tilespmem:s29+$0x230] =	vst v4;
	v2 =	vmul.f32 v2, v6  }
0x6d: {  	s28 =	sshll.u32 s26, $0xF;
	[tilespmem:s29+$0x240] =	vst v3;
	v1 =	vmul.f32 v1, v7  }
0x6e: {  	s30 =	sadd.s32 s28, s18;
	[tilespmem:s29+$0x250] =	vst v2;
	v0 =	vmul.f32 v0, v10  }
0x6f: {  	s30 =	sshrl.u32 s30, $0x3;
	[tilespmem:s29+$0x260] =	vst v1  }
0x70: {  	p0 =	seq.s32 s26, $0x4E;
	[tilespmem:s29+$0x270] =	vst v0;
	s29 =	sadd.s32 s5, s30  }
0x71: {  	[tilespmem:s10], [sflag:$0x7] =	stream.linear.gather [hbm4b:s29+s11], $0x4000, $0x38;
	[tilespmem:$0x1FE00] =	vst v63  }
0x72: {  	s30 =	simm.s32 @!p0 $0x5;
	s29 =	sshll.u32 s26, $0x8  }
0x73: {  	[spmem:s3] =	stream.indirect.scatter.add.f32 [tilespmem:s14], [sflag:$0x5], $0x80, s12, s13, $0xb8;
	[tilespmem:$0x1FE00] =	vst v63  }
0x74: {  	s31 =	sadd.s32 @!p0 s29, s19;
	_ =	swait.ge @!p0 [sflag:s30], $0x4000  }
0x75: {  	s31 =	sshrl.u32 @!p0 s31, $0x3;
	[sflag:s30] =	ssyncset.done @!p0 $0x0  }
0x76: {  	s0 =	simm.s32 @!p0 $0x0;
	[sflag:s30] =	ssyncadd.s32 @!p0 $0xFFFFC000;
	s30 =	sadd.s32 @!p0 s6, s31  }
0x77: {  	[tilespmem:s0], [sflag:$0x3] =	stream.linear.gather @!p0 [hbm4b:s30+s0], $0x80, $0x38;
	[tilespmem:$0x1FE00] =	vst v63  }
0x78: {  	s30 =	sadd.s32 @!p0 s7, s31;
	s31 =	simm.s32 @!p0 $0x100  }
0x79: {  	[tilespmem:s31], [sflag:$0x3] =	stream.linear.gather @!p0 [hbm4b:s30+s0], $0x80, $0x38;
	[tilespmem:$0x1FE00] =	vst v63  }
0x7a: {  	s30 =	simm.s32 @!p0 $0x3  }
0x7b: {  	_ =	swait.ge @!p0 [sflag:s30], $0x80  }
0x7c: {  	[sflag:s30] =	ssyncset.done @!p0 $0x0  }
0x7d: {  	[sflag:s30] =	ssyncadd.s32 @!p0 $0xFFFFFF80  }
0x7e: {  	_ =	swait.ge @!p0 [sflag:s30], $0x80  }
0x7f: {  	[sflag:s30] =	ssyncset.done @!p0 $0x0  }
0x80: {  	s31 =	simm.s32 @!p0 $0x200;
	[sflag:s30] =	ssyncadd.s32 @!p0 $0xFFFFFF80;
	s30 =	simm.s32 @!p0 $0x80  }
0x81: {  	[tilespmem:s31], [sflag:$0x1] =	stream.indirect.gather @!p0 [hbm4b:s4+s30], $0x80, s0, s30, $0xb8;
	[tilespmem:$0x1FE00] =	vst v63  }
0x82: {  	_ =	swait.ge [sflag:s24], $0x4000  }
0x83: {  	[sflag:s24] =	ssyncset.done $0x0  }
0x84: {  	[sflag:s24] =	ssyncadd.s32 $0xFFFFC000  }
0x85: {  	_ =	swait.ge [sflag:s23], $0x4000  }
0x86: {  	[sflag:s23] =	ssyncset.done $0x0  }
0x87: {  	s30 =	simm.s32 $0x0;
	[sflag:s23] =	ssyncadd.s32 $0xFFFFC000  }
0x88: {  	v7 =	vld [tilespmem:s30+$0x8200]  }
0x89: {  	v11 =	vld [tilespmem:s30+$0x8210]  }
0x8a: {  	v5 =	vld [tilespmem:s30+$0x8220]  }
0x8b: {  	v4 =	vld [tilespmem:s30+$0x8230]  }
0x8c: {  	v3 =	vld [tilespmem:s30+$0x8240]  }
0x8d: {  	v2 =	vld [tilespmem:s30+$0x8250]  }
0x8e: {  	v1 =	vld [tilespmem:s30+$0x8260]  }
0x8f: {  	v0 =	vld [tilespmem:s30+$0x8270]  }
0x90: {  	v12 =	vld [tilespmem:s30+$0x4200]  }
0x91: {  	v13 =	vld [tilespmem:s30+$0x4210]  }
0x92: {  	v10 =	vld [tilespmem:s30+$0x4220]  }
0x93: {  	v9 =	vld [tilespmem:s30+$0x4230]  }
0x94: {  	v8 =	vld [tilespmem:s30+$0x4240]  }
0x95: {  	v6 =	vld [tilespmem:s30+$0x4250];
	v12 =	vmul.f32 v7, v12  }
0x96: {  	s31 =	simm.s32 $0x200;
	v11 =	vmul.f32 v11, v13;
	v7 =	vld [tilespmem:s30+$0x4260]  }
.LBB2_6:
0x97: {  	s0 =	sshra.s32 s31, $0x2;
	p1 =	sne.s32 s31, $0xFE00;
	[tilespmem:s30+$0x4200] =	vst v12;
	v5 =	vmul.f32 v5, v10;
	v10 =	vld [tilespmem:s30+$0x4270]  }
0x98: {  	v12 =	vld [tilespmem:s0+$0x8200];
	[tilespmem:s30+$0x4210] =	vst v11;
	v4 =	vmul.f32 v4, v9  }
0x99: {  	v11 =	vld [tilespmem:s0+$0x8210];
	[tilespmem:s30+$0x4220] =	vst v5;
	v3 =	vmul.f32 v3, v8  }
0x9a: {  	v5 =	vld [tilespmem:s0+$0x8220];
	[tilespmem:s30+$0x4230] =	vst v4;
	v2 =	vmul.f32 v2, v6  }
0x9b: {  	v4 =	vld [tilespmem:s0+$0x8230];
	[tilespmem:s30+$0x4240] =	vst v3;
	v1 =	vmul.f32 v1, v7  }
0x9c: {  	v3 =	vld [tilespmem:s0+$0x8240];
	[tilespmem:s30+$0x4250] =	vst v2;
	v0 =	vmul.f32 v0, v10  }
0x9d: {  	v2 =	vld [tilespmem:s0+$0x8250];
	[tilespmem:s30+$0x4260] =	vst v1  }
0x9e: {  	v1 =	vld [tilespmem:s0+$0x8260];
	[tilespmem:s30+$0x4270] =	vst v0;
	s30 =	smov.u32 s0  }
0x9f: {  	v0 =	vld [tilespmem:s30+$0x8270]  }
0xa0: {  	v6 =	vld [tilespmem:s30+$0x4200]  }
0xa1: {  	v7 =	vld [tilespmem:s30+$0x4210]  }
.Ltmp2:
0xa2: {  	v10 =	vld [tilespmem:s30+$0x4220];
	(pc) =	sbr.rel @p1 .LBB2_6-.Ltmp2, $4  }
0xa3: {  	v9 =	vld [tilespmem:s30+$0x4230]  }
0xa4: {  	v8 =	vld [tilespmem:s30+$0x4240]  }
0xa5: {  	v12 =	vmul.f32 v12, v6;
	v6 =	vld [tilespmem:s30+$0x4250]  }
0xa6: {  	s31 =	sadd.s32 $0x200, s31;
	v11 =	vmul.f32 v11, v7;
	v7 =	vld [tilespmem:s30+$0x4260]  }
0xa7: {  	[tilespmem:s30+$0x4200] =	vst v12;
	v5 =	vmul.f32 v5, v10;
	v63 =	vld [tilespmem:s30+$0x4270]  }
0xa8: {  	[tilespmem:s30+$0x4210] =	vst v11;
	v4 =	vmul.f32 v4, v9  }
0xa9: {  	[tilespmem:s30+$0x4220] =	vst v5;
	v3 =	vmul.f32 v3, v8  }
.Ltmp3:
0xaa: {  	[tilespmem:s30+$0x4230] =	vst v4;
	v2 =	vmul.f32 v2, v6;
	(pc) =	sbr.rel @p0 .LBB2_9-.Ltmp3, $4  }
0xab: {  	[tilespmem:s30+$0x4240] =	vst v3;
	v1 =	vmul.f32 v1, v7  }
0xac: {  	[tilespmem:s30+$0x4250] =	vst v2;
	v0 =	vmul.f32 v0, v63  }
0xad: {  	[tilespmem:s30+$0x4260] =	vst v1  }
0xae: {  	[tilespmem:s30+$0x4270] =	vst v0  }
0xaf: {  	s0 =	sadd.s32 s28, s20  }
0xb0: {  	s0 =	sshrl.u32 s0, $0x3  }
0xb1: {  	s0 =	sadd.s32 s5, s0  }
0xb2: {  	[tilespmem:s10], [sflag:$0x7] =	stream.linear.gather [hbm4b:s0+s11], $0x4000, $0x38;
	[tilespmem:$0x1FE00] =	vst v63  }
0xb3: {  	_ = 	snop  }
0xb4: {  	[spmem:s3] =	stream.indirect.scatter.add.f32 [tilespmem:s17], [sflag:$0x6], $0x80, s15, s13, $0xb8;
	[tilespmem:$0x1FE00] =	vst v63  }
0xb5: {  	s30 =	sadd.s32 s29, s21;
	_ =	swait.ge [sflag:s25], $0x4000  }
0xb6: {  	s0 =	sshrl.u32 s30, $0x3;
	[sflag:s25] =	ssyncset.done $0x0  }
0xb7: {  	s31 =	sadd.s32 s6, s0;
	[sflag:s25] =	ssyncadd.s32 $0xFFFFC000  }
0xb8: {  	[tilespmem:s13], [sflag:$0x4] =	stream.linear.gather [hbm4b:s31+s11], $0x80, $0x38;
	[tilespmem:$0x1FE00] =	vst v63  }
0xb9: {  	s0 =	sadd.s32 s7, s0  }
0xba: {  	[tilespmem:s15], [sflag:$0x4] =	stream.linear.gather [hbm4b:s0+s11], $0x80, $0x38;
	[tilespmem:$0x1FE00] =	vst v63  }
0xbb: {  	_ =	swait.ge [sflag:s16], $0x80  }
0xbc: {  	[sflag:s16] =	ssyncset.done $0x0  }
.Ltmp4:
0xbd: {  	[sflag:s16] =	ssyncadd.s32 $0xFFFFFF80;
	(pc) =	sbr.rel .LBB2_3-.Ltmp4, $4  }
0xbe: {  	_ =	swait.ge [sflag:s16], $0x80  }
0xbf: {  	[sflag:s16] =	ssyncset.done $0x0  }
0xc0: {  	s26 =	sadd.s32 $0x1, s26;
	[sflag:s16] =	ssyncadd.s32 $0xFFFFFF80  }
0xc1: {  	[tilespmem:s17], [sflag:$0x2] =	stream.indirect.gather [hbm4b:s4+s13], $0x80, s13, s13, $0xb8;
	[tilespmem:$0x1FE00] =	vst v63  }
.LBB2_9:
0xc2: {  	s0 =	simm.s32 $0x80  }
0xc3: {  	s4 =	simm.s32 $0x180;
	s5 =	simm.s32 $0x4200;
	s25 =	simm.s32 $0x5  }
0xc4: {  	[spmem:s3] =	stream.indirect.scatter.add.f32 [tilespmem:s5], [sflag:$0x6], $0x80, s4, s0, $0xb8;
	[tilespmem:$0x1FE00] =	vst v63  }
0xc5: {  	_ =	swait.ge [sflag:s25], $0x4000  }
0xc6: {  	[sflag:s25] =	ssyncset.done $0x0  }
0xc7: {  	s26 =	simm.s32 $0x6;
	[sflag:s25] =	ssyncadd.s32 $0xFFFFC000  }
0xc8: {  	_ =	swait.ge [sflag:s26], $0x4000  }
0xc9: {  	s28 =	sshrl.u32 s9, $0x3;
	s29 =	sshll.u32 s1, $0x6;
	[sflag:s26] =	ssyncset.done $0x0  }
0xca: {  	s30 =	sshrl.u32 s8, $0x3;
	s31 =	simm.s32 $0x8;
	[sflag:s26] =	ssyncadd.s32 $0xFFFFC000  }
0xcb: {  	s2 =	sadd.s32 s2, s28;
	s0 =	sor.u32 $0x1C08, s29;
	[bflag:$0x0] =	sbarrier.arrive $0xFFFF  }
0xcc: {  	[hbm:s2], [sflag:s0] =	dma.local [spmem:s30], $0x2780  }
0xcd: {  	_ =	swait.ge [sflag:s31], $0x2780  }
0xce: {  	[sflag:s31] =	ssyncset.done $0x0  }
0xcf: {  	[sflag:s31] =	ssyncadd.s32 $0xFFFFD880  }
0xd0: {  	_ =	sfence.sel $0x180000  }
0xd1: {  	[bflag:$0x0] =	sbarrier.arrive $0xFFFF  }
0xd2: {  	_ =	strace $0x9000004A  }
0xd3: {  	[bflag:$0x2] =	sbarrier.arrive $0xFFFF  }
0xd4: {  	p0 =	sne.s32 s1, $0x0;
	s0 =	rddreg [dreg:$0x3]  }
0xd5: {  	s0 =	sadd.s32 @!p0 $0x100000, s0  }
0xd6: {  	[sflag:s0] =	ssyncadd.tile.s32 @!p0 $0x1;
	_ =	shalt  }
.Lfunc_end2:
_tile_overlayer_lowered:
.L_overlay_start_2:
0xd7: {  	(tag) =	ssettag $0x2  }
0xd8: {  	s0 =	rddreg [dreg:$0x0];
	s2 =	stileid.u32  }
0xd9: {  	s1 =	rddreg [dreg:$0x1];
	p0 =	sne.s32 s2, $0x0  }
0xda: {  	s3 =	rddreg [dreg:$0x2];
	[bflag:$0x3] =	sbarrier.arrive $0xFFFF;
	s2 =	simm.s32 @!p0 $0x1C08  }
0xdb: {  	[timem:s3], [sflag:s2] =	dma.local @!p0 [hbm:s0], s1  }
0xdc: {  	s0 =	simm.s32 @!p0 $0x8  }
0xdd: {  	_ =	swait.ge @!p0 [sflag:s0], s1  }
0xde: {  	s1 =	ssub.s32 @!p0 $0x0, s1;
	[sflag:s0] =	ssyncset.done @!p0 $0x0  }
0xdf: {  	[sflag:s0] =	ssyncadd.s32 @!p0 s1  }
0xe0: {  	[bflag:$0x3] =	sbarrier.arrive $0xFFFF  }
0xe1: {  	_ =	shalt  }

// kernel: kernel.8.cloned.1.call-start
scs
__scs_entry_jumppad:
0x0: {  	(pc) =	sbr.rel $0x88, $3  }
0x1: {  	(tag) =	ssettag $0x0;
	lr =	simm.s32 $0x1  }
0x2: {  	[smem:$0x3F95] =	sst lr;
	_ =	strace $0xD0000000  }
0x3: {  	_ = 	snop  }
0x4: {  	_ = 	snop  }
0x5: {  	_ = 	snop  }
0x6: {  	_ = 	snop  }
0x7: {  	_ = 	snop  }
__scs_overlays_trampoline_lowered:
0x8: {  	[smem:$0x3FA4] =	sst s0  }
0x9: {  	[smem:$0x3FA5] =	sst s1  }
0xa: {  	[smem:$0x3FA6] =	sst s2  }
0xb: {  	[smem:$0x3FA7] =	sst s3  }
0xc: {  	[smem:$0x3FA8] =	sst s4  }
0xd: {  	[smem:$0x3FA9] =	sst s5  }
0xe: {  	[smem:$0x3FAA] =	sst s6  }
0xf: {  	[smem:$0x3FAB] =	sst s7  }
0x10: {  	[smem:$0x3FAC] =	sst s8  }
0x11: {  	[smem:$0x3FAD] =	sst s9;
	s0 =	simm.s32 @!p0 $0x0  }
0x12: {  	s1 =	sld [smem:$0x3F93];
	s0 =	simm.s32 @p0 $0x1  }
0x13: {  	[smem:$0x3FAE] =	sst s0;
	s0 =	simm.s32 @!p1 $0x0  }
0x14: {  	s2 =	sld [smem:$0x3F92];
	s0 =	simm.s32 @p1 $0x1  }
0x15: {  	[smem:$0x3FAF] =	sst s0;
	s0 =	simm.s32 @!p2 $0x0  }
0x16: {  	s3 =	sld [smem:$0x3FDB];
	s0 =	simm.s32 @p2 $0x1  }
0x17: {  	s4 =	simm.s32 $0x1BF5;
	[smem:$0x3FB1] =	sst s0  }
0x18: {  	s0 =	sld [smem:$0x3F94];
	_ =	swait.ge [sflag:s4], $0x0  }
0x19: {  	s7 =	sld [smem:$0x3F95]  }
0x1a: {  	s8 =	sadd.s32 $0xFFFFE003, lr  }
0x1b: {  	s9 =	sadd.s32 $0xFFFFFEF7, lr;
	s5 =	simm.s32 $0xFFFFFFFF;
	p2 =	slt.u32 s8, $0xFFFFF086  }
0x1c: {  	p1 =	slt.u32 s9, $0xF7A;
	s5 =	simm.s32 @!p2 $0x0  }
0x1d: {  	s5 =	simm.s32 @p1 $0x1;
	p0 =	seq.s32 s7, s2  }
0x1e: {  	s7 =	smul.u32 @!p0 $0xF7A, s2;
	p2 =	seq.s32 @!p0 s5, $0x0  }
0x1f: {  	s9 =	smul.u32 $0xF7A, s1;
	s8 =	simm.s32 @!p0 $0x1BF5;
	p2 =	por !p2, p0  }
0x20: {  	[sflag:s8] =	ssyncset.s32 @!p0 $0xFFFFF086;
	s6 =	sadd.s32 @!p0 s3, s7;
	s7 =	simm.s32 @!p0 $0x108  }
0x21: {  	s3 =	sadd.s32 s3, s9;
	s6 =	sadd.s32 @!p0 $0x88, s6;
	s7 =	simm.s32 @p2 $0x1082  }
0x22: {  	[simem:s7], [sflag:s8] =	dma.local @!p0 [hbm:s6], $0xF7A  }
0x23: {  	s9 =	sor.u32 $0xD0000000, s2;
	s6 =	simm.s32 $0x108;
	_ =	swait.ge @!p0 [sflag:s8], $0x0  }
0x24: {  	s3 =	sadd.s32 $0x88, s3;
	s6 =	simm.s32 @!p1 $0x1082;
	[sflag:s4] =	ssyncset.s32 $0xFFFFF086  }
0x25: {  	[simem:s6], [sflag:s4] =	dma.local [hbm:s3], $0xF7A  }
0x26: {  	[smem:$0x3F95] =	sst s1;
	(tag) =	ssettag s2;
	_ =	strace s9  }
0x27: {  	s1 =	sld [smem:$0x3FA5]  }
0x28: {  	s2 =	sld [smem:$0x3FA6]  }
0x29: {  	s4 =	sld [smem:$0x3FA8]  }
0x2a: {  	p0 =	seq.s32 s5, $0x0;
	s5 =	sld [smem:$0x3FA9]  }
0x2b: {  	s6 =	sld [smem:$0x3FAA]  }
0x2c: {  	s7 =	sld [smem:$0x3FAB]  }
0x2d: {  	s3 =	simm.s32 $0x108;
	s8 =	sld [smem:$0x3FAC]  }
0x2e: {  	s3 =	simm.s32 @!p0 $0x1082;
	s9 =	sld [smem:$0x3FAD]  }
0x2f: {  	lr =	sadd.s32 s0, s3;
	s0 =	sld [smem:$0x3FA4]  }
0x30: {  	s3 =	sld [smem:$0x3FA7]  }
0x31: {  	[smem:$0x3FB0] =	sst s10  }
0x32: {  	s10 =	sld [smem:$0x3FAE];
	_ =	sdelay $0x3  }
0x33: {  	p0 =	seq.s32 s10, $0x1;
	s10 =	sld [smem:$0x3FB0];
	_ =	sdelay $0x3  }
0x34: {  	[smem:$0x3FB0] =	sst s10  }
0x35: {  	s10 =	sld [smem:$0x3FAF];
	_ =	sdelay $0x3  }
0x36: {  	p1 =	seq.s32 s10, $0x1;
	s10 =	sld [smem:$0x3FB0];
	_ =	sdelay $0x3  }
0x37: {  	[smem:$0x3FB0] =	sst s10  }
0x38: {  	s10 =	sld [smem:$0x3FB1]  }
0x39: {  	_ = 	snop;
	(pc) =	sbr.ind lr, $3  }
0x3a: {  	_ = 	snop  }
0x3b: {  	_ = 	snop  }
0x3c: {  	p2 =	seq.s32 s10, $0x1;
	s10 =	sld [smem:$0x3FB0]  }
0x3d: {  	_ =	shalt  }
0x3e: {  	_ =	shalt  }
0x3f: {  	_ =	shalt  }
0x40: {  	_ =	shalt  }
0x41: {  	_ =	shalt  }
0x42: {  	_ =	shalt  }
0x43: {  	_ =	shalt  }
0x44: {  	_ =	shalt  }
0x45: {  	_ =	shalt  }
0x46: {  	_ =	shalt  }
0x47: {  	_ =	shalt  }
0x48: {  	_ =	shalt  }
0x49: {  	_ =	shalt  }
0x4a: {  	_ =	shalt  }
0x4b: {  	_ =	shalt  }
0x4c: {  	_ =	shalt  }
0x4d: {  	_ =	shalt  }
0x4e: {  	_ =	shalt  }
0x4f: {  	_ =	shalt  }
0x50: {  	_ =	shalt  }
0x51: {  	_ =	shalt  }
0x52: {  	_ =	shalt  }
0x53: {  	_ =	shalt  }
0x54: {  	_ =	shalt  }
0x55: {  	_ =	shalt  }
0x56: {  	_ =	shalt  }
0x57: {  	_ =	shalt  }
0x58: {  	_ =	shalt  }
0x59: {  	_ =	shalt  }
0x5a: {  	_ =	shalt  }
0x5b: {  	_ =	shalt  }
0x5c: {  	_ =	shalt  }
0x5d: {  	_ =	shalt  }
0x5e: {  	_ =	shalt  }
0x5f: {  	_ =	shalt  }
0x60: {  	_ =	shalt  }
0x61: {  	_ =	shalt  }
0x62: {  	_ =	shalt  }
0x63: {  	_ =	shalt  }
0x64: {  	_ =	shalt  }
0x65: {  	_ =	shalt  }
0x66: {  	_ =	shalt  }
0x67: {  	_ =	shalt  }
0x68: {  	_ =	shalt  }
0x69: {  	_ =	shalt  }
0x6a: {  	_ =	shalt  }
0x6b: {  	_ =	shalt  }
0x6c: {  	_ =	shalt  }
0x6d: {  	_ =	shalt  }
0x6e: {  	_ =	shalt  }
0x6f: {  	_ =	shalt  }
0x70: {  	_ =	shalt  }
0x71: {  	_ =	shalt  }
0x72: {  	_ =	shalt  }
0x73: {  	_ =	shalt  }
0x74: {  	_ =	shalt  }
0x75: {  	_ =	shalt  }
0x76: {  	_ =	shalt  }
0x77: {  	_ =	shalt  }
0x78: {  	_ =	shalt  }
0x79: {  	_ =	shalt  }
0x7a: {  	_ =	shalt  }
0x7b: {  	_ =	shalt  }
0x7c: {  	_ =	shalt  }
0x7d: {  	_ =	shalt  }
0x7e: {  	_ =	shalt  }
0x7f: {  	_ =	shalt  }
0x80: {  	_ =	shalt  }
0x81: {  	_ =	shalt  }
0x82: {  	_ =	shalt  }
0x83: {  	_ =	shalt  }
0x84: {  	_ =	shalt  }
0x85: {  	_ =	shalt  }
0x86: {  	_ =	shalt  }
0x87: {  	_ =	shalt  }
.Lfunc_end0:
.L_simem_size_0:
called_computation_lowered:
.L_overlay_start_0:
0x88: {  	s2 =	sld [smem:$0x3FD9]  }
0x89: {  	s3 =	sld [smem:$0x3FFE];
	_ =	sdelay $0x1  }
0x8a: {  	s1 =	srdreg.scid  }
0x8b: {  	s0 =	sand.u32 $0x1, s1  }
0x8c: {  	s14 =	sshll.u32 s0, $0xA;
	s2 =	sadd.s32 s3, s2  }
0x8d: {  	s2 =	sadd.s32 s2, s14  }
0x8e: {  	[smem:$0x3FBC] =	sst s2  }
0x8f: {  	_ = 	snop  }
0x90: {  	s2 =	sld [smem:$0x3FD0];
	_ =	sdelay $0x2  }
0x91: {  	s15 =	simm.s32 $0xA;
	s4 =	simm.s32 $0x10  }
0x92: {  	[smem:s4], [sflag:s15] =	dma.local [hbm:s2], $0x1  }
0x93: {  	_ =	swait.eq [sflag:s15], $0x1  }
0x94: {  	[sflag:s15] =	ssyncset.done $0x0  }
0x95: {  	[sflag:s15] =	ssyncadd.s32 $0xFFFFFFFF  }
0x96: {  	s16 =	sld [smem:$0x11];
	(tm) =	ssettm $0x1  }
0x97: {  	s17 =	sld [smem:$0x3FFB];
	_ =	sdelay $0x3  }
0x98: {  	_ =	strace s17  }
0x99: {  	s3 =	sld [smem:$0x3FFC];
	_ =	sdelay $0x3  }
0x9a: {  	_ =	strace s3  }
0x9b: {  	s3 =	sld [smem:$0x3FFD];
	_ =	sdelay $0x3  }
0x9c: {  	_ =	strace s3  }
0x9d: {  	_ =	strace $0x8FFFFFFF  }
0x9e: {  	s18 =	sld [smem:$0x3FDB];
	_ =	sdelay $0x1  }
0x9f: {  	s19 =	simm.s32 $_scs_section_size  }
0xa0: {  	s5 =	simm.s32 $_size__tile_overlayer_lowered;
	s6 =	simm.s32 $_tile_overlayer_lowered  }
0xa1: {  	s22 =	simm.s32 $0x1BFF;
	s21 =	sshll.u32 s6, $0x1;
	s3 =	sadd.s32 s19, s18  }
0xa2: {  	s7 =	simm.s32 $0x0;
	s20 =	sshll.u32 s5, $0x1;
	s5 =	sadd.s32 s21, s3  }
0xa3: {  	[timem:s7], [sflag:s22] =	dma.local [hbm:s5], s20  }
0xa4: {  	_ =	swait.ge [sflag:s22], s20  }
0xa5: {  	s4 =	ssub.s32 $0x0, s20;
	[sflag:s22] =	ssyncset.done $0x0  }
0xa6: {  	[sflag:s22] =	ssyncadd.s32 s4;
	_ =	sdelay $0x1  }
0xa7: {  	s23 =	simm.s32 $0x1B8B  }
0xa8: {  	_ =	swait.ge [sflag:s23], $0x1  }
0xa9: {  	[sflag:s23] =	ssyncset.done $0x0  }
0xaa: {  	s25 =	simm.s32 $0x1B8E;
	s24 =	sld [smem:$0x3FFE];
	[sflag:s23] =	ssyncadd.s32 $0xFFFFFFFF  }
0xab: {  	s26 =	simm.s32 $execute0_lowered;
	[smem:$0x3FD2] =	sst s25  }
0xac: {  	s5 =	sshll.u32 s26, $0x1;
	_ =	strace $0x80000046;
	[dreg:$0x1] =	wrdreg $0xFFFFFFFF  }
0xad: {  	s28 =	simm.s32 $_size_execute0_lowered;
	s3 =	sadd.s32 s3, s5;
	[dreg:$0x0] =	wrdreg $0x0  }
0xae: {  	s5 =	sshll.u32 s28, $0x1;
	[dreg:$0x2] =	wrdreg s3  }
0xaf: {  	[dreg:$0x3] =	wrdreg s5  }
0xb0: {  	[dreg:$0x4] =	wrdreg $0xC0  }
0xb1: {  	_ =	task [dreg:s7], $0x5FFFF  }
0xb2: {  	[dreg:$0x1] =	wrdreg $0xFFFFFFFF  }
0xb3: {  	[dreg:$0x0] =	wrdreg $0x60  }
0xb4: {  	[dreg:$0x2] =	wrdreg s24  }
0xb5: {  	[dreg:$0x3] =	wrdreg s16  }
0xb6: {  	[dreg:$0x4] =	wrdreg $0x9  }
0xb7: {  	_ =	task.clear_ibuf [dreg:s7], $0x5FFFF;
	_ =	strace $0x90000046  }
0xb8: {  	s29 =	simm.s32 $0x9;
	_ =	strace $0x80000048  }
0xb9: {  	_ =	swait.ge [sflag:s29], $0x1  }
0xba: {  	[sflag:s29] =	ssyncadd.s32 $0xFFFFFFFF  }
0xbb: {  	_ =	strace $0x90000048  }
0xbc: {  	_ =	sfence  }
0xbd: {  	s30 =	sld [smem:$0x0];
	_ =	sdelay $0x2  }
0xbe: {  	s31 =	sshll.u32 s1, $0xD;
	s1 =	sshrl.u32 s1, $0x2  }
0xbf: {  	s3 =	sand.u32 $0x4000, s31;
	s1 =	sadd.s32 s1, s30  }
0xc0: {  	s0 =	sor.u32 s3, s0;
	s1 =	sshll.u32 s1, $0x11  }
0xc1: {  	s0 =	sor.u32 s1, s0  }
0xc2: {  	s0 =	sadd.s32 $0x8F2B, s0  }
0xc3: {  	[sflag:s0] =	ssyncadd.remote.s32 $0x1  }
0xc4: {  	_ =	sfence.sel $0xFFFF  }
0xc5: {  	[dreg:$0x0] =	wrdreg $0xFFFFFFFF;
	(pc) =	sbr.abs _section_cstart, $3  }
0xc6: {  	[dreg:$0x1] =	wrdreg $0xFFFFFFFF  }
0xc7: {  	_ =	task.clear_ibuf [dreg:s7], $0x2FFFF;
	_ =	strace $0x9FFFFFFF  }
0xc8: {  	(tm) =	ssettm $0x7FFFFFFF  }
0xc9: {  	_ =	shalt  }
tec
execute0_lowered:
.L_overlay_start_1:
0x0: {  	(tag) =	ssettag $0x1  }
0x1: {  	s6 =	rddreg [dreg:$0x0];
	s1 =	srdreg.scid  }
0x2: {  	s0 =	stileid.u32;
	s2 =	rddreg [dreg:$0x1];
	s3 =	simm.s32 $0x0  }
0x3: {  	s11 =	simm.s32 $0x2710;
	s12 =	simm.s32 $0x4E20;
	s13 =	simm.s32 $0x7530  }
0x4: {  	s14 =	simm.s32 $0x9CB0;
	s5 =	sand.u32 $0x1, s1;
	s4 =	sshll.u32 s0, $0x1  }
0x5: {  	s15 =	simm.s32 $0xC430;
	s1 =	rddreg [dreg:$0x2];
	s4 =	sor.u32 s5, s4  }
0x6: {  	s16 =	simm.s32 $0x0;
	[smem:$0x7FF] =	sst s3;
	s7 =	smul.u32 $0x4F0, s4  }
0x7: {  	_ =	strace $0x80000047;
	s8 =	ssub.s32 $0x2, s5;
	s5 =	sadd.s32 $0x15200, s6  }
0x8: {  	s4 =	sadd.s32 $0x15800, s6;
	s31 =	sshrl.u32 s8, $0x1;
	s9 =	sadd.s32 s7, s6  }
0x9: {  	s10 =	ssub.s32 s8, s31;
	s6 =	sadd.s32 $0xB400, s9;
	s7 =	sadd.s32 $0x1600, s9  }
0xa: {  	s8 =	sadd.s32 $0x15E00, s9;
	s9 =	smax.u32 s10, $0x1;
	s10 =	simm.s32 $0x1  }
.LBB2_1:
0xb: {  	[tilespmem:s3], [sflag:$0x1] =	stream.linear.gather [hbm4b:s4+s3], $0x2710, $0x38;
	[tilespmem:$0xEBB0] =	vst v63  }
0xc: {  	_ =	swait.ge [sflag:s10], $0x2710  }
0xd: {  	[sflag:s10] =	ssyncset.done $0x0  }
0xe: {  	[sflag:s10] =	ssyncadd.s32 $0xFFFFD8F0  }
0xf: {  	[tilespmem:s11], [sflag:$0x1] =	stream.linear.gather [hbm4b:s5+s3], $0x2710, $0x38;
	[tilespmem:$0xEBB0] =	vst v63  }
0x10: {  	_ =	swait.ge [sflag:s10], $0x2710  }
0x11: {  	[sflag:s10] =	ssyncset.done $0x0  }
0x12: {  	[sflag:s10] =	ssyncadd.s32 $0xFFFFD8F0  }
0x13: {  	[tilespmem:s12], [sflag:$0x1] =	stream.linear.gather [hbm4b:s2+s3], $0x2710, $0x38;
	[tilespmem:$0xEBB0] =	vst v63  }
0x14: {  	_ =	swait.ge [sflag:s10], $0x2710  }
0x15: {  	[sflag:s10] =	ssyncset.done $0x0  }
0x16: {  	[sflag:s10] =	ssyncadd.s32 $0xFFFFD8F0  }
0x17: {  	[tilespmem:s13], [sflag:$0x1] =	stream.linear.gather [hbm4b:s6+s3], $0x2780, $0x38;
	[tilespmem:$0xEBB0] =	vst v63  }
0x18: {  	_ =	swait.ge [sflag:s10], $0x2780  }
0x19: {  	[sflag:s10] =	ssyncset.done $0x0  }
0x1a: {  	[sflag:s10] =	ssyncadd.s32 $0xFFFFD880  }
0x1b: {  	[tilespmem:s14], [sflag:$0x1] =	stream.linear.gather [hbm4b:s7+s3], $0x2780, $0x38;
	[tilespmem:$0xEBB0] =	vst v63  }
0x1c: {  	_ =	swait.ge [sflag:s10], $0x2780  }
0x1d: {  	[sflag:s10] =	ssyncset.done $0x0  }
0x1e: {  	s17 =	simm.s32 $0x0;
	[sflag:s10] =	ssyncadd.s32 $0xFFFFD880  }
0x1f: {  	v0 =	vld [tilespmem:s17+$0x9CB0]  }
0x20: {  	v1 =	vld [tilespmem:s17+$0x7530];
	_ =	sdelay $0x6  }
0x21: {  	v2 =	vld.idx.msk [tilespmem:v0+s3+$0x0], $0xffff  }
0x22: {  	v3 =	vld.idx.msk [tilespmem:v1+s3+$0x0], $0xffff  }
0x23: {  	v4 =	vld.idx.msk [tilespmem:v1+s11+$0x0], $0xffff  }
0x24: {  	v5 =	vld.idx.msk [tilespmem:v0+s11+$0x0], $0xffff  }
0x25: {  	v6 =	vld.idx.msk [tilespmem:v1+s12+$0x0], $0xffff  }
0x26: {  	v7 =	vld.idx.msk [tilespmem:v0+s12+$0x0], $0xffff;
	_ =	sdelay $0x2  }
0x27: {  	s18 =	simm.s32 $0x10;
	v3 =	vsub.f32 v3, v2;
	v4 =	vsub.f32 v4, v5  }
0x28: {  	v0 =	vld [tilespmem:s18+$0x9CB0]  }
0x29: {  	v1 =	vld [tilespmem:s18+$0x7530];
	v2 =	vsub.f32 v6, v7;
	v3 =	vmul.f32 v3, v3;
	v4 =	vmul.f32 v4, v4  }
0x2a: {  	s19 =	simm.s32 $0x80  }
.LBB2_2:
0x2b: {  	p0 =	sne.s32 s19, $0x9DC0;
	v3 =	vadd.f32 v4, v3;
	v2 =	vmul.f32 v2, v2;
	_ =	sdelay $0x1  }
0x2c: {  	v2 =	vadd.f32 v2, v3;
	_ =	sdelay $0x1  }
0x2d: {  	[tilespmem:s17+$0xC430] =	vst v2;
	s17 =	smov.u32 s18  }
0x2e: {  	v2 =	vld.idx.msk [tilespmem:v0+s3+$0x0], $0xffff  }
0x2f: {  	v3 =	vld.idx.msk [tilespmem:v1+s3+$0x0], $0xffff  }
0x30: {  	v4 =	vld.idx.msk [tilespmem:v1+s11+$0x0], $0xffff  }
0x31: {  	v5 =	vld.idx.msk [tilespmem:v0+s11+$0x0], $0xffff  }
0x32: {  	v6 =	vld.idx.msk [tilespmem:v1+s12+$0x0], $0xffff  }
0x33: {  	v7 =	vld.idx.msk [tilespmem:v0+s12+$0x0], $0xffff;
	_ =	sdelay $0x2  }
.Ltmp0:
0x34: {  	(pc) =	sbr.rel @p0 .LBB2_2-.Ltmp0, $4  }
0x35: {  	s18 =	sshra.s32 s19, $0x2;
	v3 =	vsub.f32 v3, v2;
	v4 =	vsub.f32 v4, v5  }
0x36: {  	v0 =	vld [tilespmem:s18+$0x9CB0]  }
0x37: {  	v3 =	vmul.f32 v3, v3;
	v2 =	vsub.f32 v6, v7;
	v4 =	vmul.f32 v4, v4;
	v1 =	vld [tilespmem:s18+$0x7530]  }
0x38: {  	s19 =	sadd.s32 $0x40, s19  }
0x39: {  	_ = 	snop  }
0x3a: {  	v3 =	vadd.f32 v4, v3;
	v2 =	vmul.f32 v2, v2;
	_ =	sdelay $0x1  }
0x3b: {  	v2 =	vadd.f32 v2, v3;
	_ =	sdelay $0x1  }
0x3c: {  	[tilespmem:s17+$0xC430] =	vst v2  }
0x3d: {  	v2 =	vld.idx.msk [tilespmem:v0+s3+$0x0], $0xffff  }
0x3e: {  	v57 =	vld.idx.msk [tilespmem:v1+s3+$0x0], $0xffff  }
0x3f: {  	v58 =	vld.idx.msk [tilespmem:v1+s11+$0x0], $0xffff  }
0x40: {  	v5 =	vld.idx.msk [tilespmem:v0+s11+$0x0], $0xffff  }
0x41: {  	v59 =	vld.idx.msk [tilespmem:v1+s12+$0x0], $0xffff  }
0x42: {  	v60 =	vld.idx.msk [tilespmem:v0+s12+$0x0], $0xffff;
	_ =	sdelay $0x2  }
0x43: {  	v2 =	vsub.f32 v57, v2;
	v61 =	vsub.f32 v58, v5;
	_ =	sdelay $0x1  }
0x44: {  	v0 =	vsub.f32 v59, v60;
	v62 =	vmul.f32 v2, v2;
	v63 =	vmul.f32 v61, v61;
	_ =	sdelay $0x1  }
0x45: {  	v0 =	vmul.f32 v0, v0;
	v1 =	vadd.f32 v63, v62;
	_ =	sdelay $0x1  }
0x46: {  	s16 =	sadd.s32 $0x1, s16;
	v0 =	vadd.f32 v0, v1  }
0x47: {  	p0 =	sne.s32 s16, s9  }
.Ltmp1:
0x48: {  	[tilespmem:s18+$0xC430] =	vst v0;
	(pc) =	sbr.rel @p0 .LBB2_1-.Ltmp1, $4  }
0x49: {  	[hbm4b:s8+s3] =	stream.linear.scatter [tilespmem:s15], [sflag:$0x1], $0x2780, $0x38;
	[tilespmem:$0xEBB0] =	vst v63  }
0x4a: {  	_ =	swait.ge [sflag:s10], $0x2780  }
0x4b: {  	[sflag:s10] =	ssyncset.done $0x0  }
0x4c: {  	[sflag:s10] =	ssyncadd.s32 $0xFFFFD880  }
0x4d: {  	_ =	sfence.sel $0x180000  }
0x4e: {  	[bflag:$0x0] =	sbarrier.arrive $0xFFFF  }
0x4f: {  	p0 =	sne.s32 s0, $0x0;
	_ =	strace $0x90000047  }
0x50: {  	s0 =	sadd.s32 @!p0 $0x100000, s1;
	[bflag:$0x2] =	sbarrier.arrive $0xFFFF  }
0x51: {  	[sflag:s0] =	ssyncadd.tile.s32 @!p0 $0x1;
	_ =	shalt  }
.Lfunc_end2:
_tile_overlayer_lowered:
.L_overlay_start_2:
0x52: {  	(tag) =	ssettag $0x2  }
0x53: {  	s0 =	rddreg [dreg:$0x0];
	s2 =	stileid.u32  }
0x54: {  	s1 =	rddreg [dreg:$0x1];
	p0 =	sne.s32 s2, $0x0  }
0x55: {  	s3 =	rddreg [dreg:$0x2];
	[bflag:$0x3] =	sbarrier.arrive $0xFFFF;
	s2 =	simm.s32 @!p0 $0x1C01  }
0x56: {  	[timem:s3], [sflag:s2] =	dma.local @!p0 [hbm:s0], s1  }
0x57: {  	s0 =	simm.s32 @!p0 $0x1  }
0x58: {  	_ =	swait.ge @!p0 [sflag:s0], s1  }
0x59: {  	s1 =	ssub.s32 @!p0 $0x0, s1;
	[sflag:s0] =	ssyncset.done @!p0 $0x0  }
0x5a: {  	[sflag:s0] =	ssyncadd.s32 @!p0 s1  }
0x5b: {  	[bflag:$0x3] =	sbarrier.arrive $0xFFFF  }
0x5c: {  	_ =	shalt  }

</sc_bundles>
